<compile_context>
chip_gen: v7x
topology: tpu7x:2x2x1
jax: 0.10.2.dev20260603
libtpu: 0.0.44.dev20260713+nightly
codegen_flags: <defaults>
</compile_context>

<pallas_src>
import functools

import numpy as np
import jax
import jax.numpy as jnp
from jax import lax
from jax.experimental import pallas as pl
from jax.experimental.pallas import tpu as pltpu
from jax.experimental.pallas import tpu_sc as plsc

BOUND = 1.0
MIN_NEAR = 0.2
DENSITY_THRESH = 0.01
MAX_STEPS = 128
GRID_SIZE = 128
N_RAYS = 16384
DT = 2.0 * BOUND * float(np.sqrt(3.0)) / MAX_STEPS
NCELLS = GRID_SIZE ** 3
NWORDS = NCELLS // 32

NC, NS = 2, 16
NW = NC * NS
RPW = N_RAYS // NW
CELLS_PW = NCELLS // NW
WORDS_PW = NWORDS // NW


def _spread7(v: int) -> int:
    r = 0
    for i in range(7):
        r |= ((v >> i) & 1) << (3 * i)
    return r


_SP = np.array([_spread7(v) for v in range(GRID_SIZE)], dtype=np.int32)
_SP_TABLES = (_SP, _SP << 1, _SP << 2)

def _wid():
    return lax.axis_index("s") * NC + lax.axis_index("c")


def _pack_body(density_hbm, bitmap_hbm, vals_ref, words_ref):
    wid = _wid()
    pltpu.sync_copy(density_hbm.at[pl.ds(wid * CELLS_PW, CELLS_PW)], vals_ref)
    iota = lax.iota(jnp.int32, 16)

    def wv_body(wv, carry):
        base_idx = iota * 32 + wv * 512
        word = jnp.zeros((16,), jnp.int32)
        for b in range(32):
            v = plsc.load_gather(vals_ref, [base_idx + b])
            word = word | ((v > DENSITY_THRESH).astype(jnp.int32) << b)
        words_ref[pl.ds(wv * 16, 16)] = word
        return carry

    lax.fori_loop(0, WORDS_PW // 16, wv_body, 0)
    pltpu.sync_copy(words_ref, bitmap_hbm.at[pl.ds(wid * WORDS_PW, WORDS_PW)])


def _march_body(rays_hbm, bitmap_hbm, sp0_hbm, sp1_hbm, sp2_hbm,
                xyz_hbm, z_hbm, valid_hbm,
                occ_ref, rays_ref, sp0_ref, sp1_ref, sp2_ref,
                xyz_st, z_st, valid_st):
    wid = _wid()
    ray0 = wid * RPW
    pltpu.sync_copy(bitmap_hbm, occ_ref)
    pltpu.sync_copy(rays_hbm.at[pl.ds(ray0 * 6, RPW * 6)], rays_ref)
    pltpu.sync_copy(sp0_hbm, sp0_ref)
    pltpu.sync_copy(sp1_hbm, sp1_ref)
    pltpu.sync_copy(sp2_hbm, sp2_ref)

    iota = lax.iota(jnp.int32, 16)
    iota6 = iota * 6
    iota128 = iota * MAX_STEPS
    iota384 = iota * (MAX_STEPS * 3)

    def chunk_body(c, carry):
        i6 = iota6 + c * 96
        dx = plsc.load_gather(rays_ref, [i6])
        dy = plsc.load_gather(rays_ref, [i6 + 1])
        dz = plsc.load_gather(rays_ref, [i6 + 2])
        ox = plsc.load_gather(rays_ref, [i6 + 3])
        oy = plsc.load_gather(rays_ref, [i6 + 4])
        oz = plsc.load_gather(rays_ref, [i6 + 5])

        def inv(d):
            safe = jnp.where(jnp.abs(d) > 1e-9, d, jnp.float32(1e-9))
            return 1.0 / safe

        ivx, ivy, ivz = inv(dx), inv(dy), inv(dz)
        t0x = (-BOUND - ox) * ivx
        t1x = (BOUND - ox) * ivx
        t0y = (-BOUND - oy) * ivy
        t1y = (BOUND - oy) * ivy
        t0z = (-BOUND - oz) * ivz
        t1z = (BOUND - oz) * ivz
        tmin = jnp.maximum(jnp.maximum(jnp.minimum(t0x, t1x),
                                       jnp.minimum(t0y, t1y)),
                           jnp.minimum(t0z, t1z))
        tmax = jnp.minimum(jnp.minimum(jnp.maximum(t0x, t1x),
                                       jnp.maximum(t0y, t1y)),
                           jnp.maximum(t0z, t1z))
        nears = jnp.maximum(tmin, MIN_NEAR)
        hit = tmax > jnp.maximum(tmin, 0.0)
        fars = jnp.where(hit, jnp.maximum(tmax, nears), nears)

        def step_body(s, inner):
            sf = s.astype(jnp.float32)
            t = nears + (sf + 0.5) * DT
            in_range = t < fars
            x = ox + t * dx
            y = oy + t * dy
            z = oz + t * dz

            def coord(u):
                uc = jnp.clip(u, -BOUND, BOUND)
                cf = (uc * 0.5 + 0.5) * float(GRID_SIZE)
                return jnp.clip(cf.astype(jnp.int32), 0, GRID_SIZE - 1)

            code = (plsc.load_gather(sp0_ref, [coord(x)])
                    | plsc.load_gather(sp1_ref, [coord(y)])
                    | plsc.load_gather(sp2_ref, [coord(z)]))
            wrd = plsc.load_gather(occ_ref, [code >> 5])
            occ = (lax.shift_right_logical(wrd, code & 31) & 1) != 0
            valid = in_range & occ

            ia = iota384 + s * 3
            plsc.store_scatter(xyz_st, [ia], jnp.where(valid, x, 0.0))
            plsc.store_scatter(xyz_st, [ia + 1], jnp.where(valid, y, 0.0))
            plsc.store_scatter(xyz_st, [ia + 2], jnp.where(valid, z, 0.0))
            iz = iota128 + s
            plsc.store_scatter(z_st, [iz], jnp.where(valid, t, 0.0))
            plsc.store_scatter(valid_st, [iz], valid.astype(jnp.int32))
            return inner

        lax.fori_loop(0, MAX_STEPS, step_body, 0)

        obase = ray0 + c * 16
        pltpu.sync_copy(xyz_st, xyz_hbm.at[pl.ds(obase * 384, 16 * 384)])
        pltpu.sync_copy(z_st, z_hbm.at[pl.ds(obase * 128, 16 * 128)])
        pltpu.sync_copy(valid_st, valid_hbm.at[pl.ds(obase * 128, 16 * 128)])
        return carry

    lax.fori_loop(0, RPW // 16, chunk_body, 0)


@functools.cache
def _build():
    mesh = plsc.VectorSubcoreMesh(
        core_axis_name="c", subcore_axis_name="s",
        num_cores=NC, num_subcores=NS,
    )
    params = pltpu.CompilerParams(
        needs_layout_passes=False, use_tc_tiling_on_sc=False
    )
    pack = pl.kernel(
        _pack_body,
        out_type=jax.ShapeDtypeStruct((NWORDS,), jnp.int32),
        mesh=mesh,
        compiler_params=params,
        scratch_types=[
            pltpu.VMEM((CELLS_PW,), jnp.float32),
            pltpu.VMEM((WORDS_PW,), jnp.int32),
        ],
    )
    march = pl.kernel(
        _march_body,
        out_type=[
            jax.ShapeDtypeStruct((N_RAYS * MAX_STEPS * 3,), jnp.float32),
            jax.ShapeDtypeStruct((N_RAYS * MAX_STEPS,), jnp.float32),
            jax.ShapeDtypeStruct((N_RAYS * MAX_STEPS,), jnp.int32),
        ],
        mesh=mesh,
        compiler_params=params,
        scratch_types=[
            pltpu.VMEM((NWORDS,), jnp.int32),
            pltpu.VMEM((RPW * 6,), jnp.float32),
            pltpu.VMEM((GRID_SIZE,), jnp.int32),
            pltpu.VMEM((GRID_SIZE,), jnp.int32),
            pltpu.VMEM((GRID_SIZE,), jnp.int32),
            pltpu.VMEM((16 * MAX_STEPS * 3,), jnp.float32),
            pltpu.VMEM((16 * MAX_STEPS,), jnp.float32),
            pltpu.VMEM((16 * MAX_STEPS,), jnp.int32),
        ],
    )
    return pack, march


def kernel(rays_chunk, focal, density_grid):
    del focal
    rays_flat = rays_chunk.reshape(-1)
    dens_flat = density_grid.reshape(-1)
    sp0 = jnp.asarray(_SP_TABLES[0])
    sp1 = jnp.asarray(_SP_TABLES[1])
    sp2 = jnp.asarray(_SP_TABLES[2])
    pack, march = _build()
    bitmap = pack(dens_flat)
    xyz, z, valid = march(rays_flat, bitmap, sp0, sp1, sp2)
    return (xyz.reshape(N_RAYS, MAX_STEPS, 3),
            valid.reshape(N_RAYS, MAX_STEPS) != 0,
            jnp.int32(MAX_STEPS),
            z.reshape(N_RAYS, MAX_STEPS))

# --- scband reference (transcript-rebuilt; emitter-appended) ---
"""Pipeline reference for scband-raymarcher-49838800503335 (READ-ONLY COPY).

The authoritative reference and input builder live on the scoring server;
editing this copy changes nothing except your own understanding.
"""

import jax, jax.numpy as jnp
import numpy as np

BOUND = 1.0
MIN_NEAR = 0.2
DENSITY_THRESH = 0.01
MAX_STEPS = 128
GRID_SIZE = 128
CASCADE = 1
N_RAYS = 16384


def morton3D(coords):
    x = coords[..., 0]
    y = coords[..., 1]
    z = coords[..., 2]
    code = jnp.zeros_like(x)
    for i in range(7):
        code = code | (((x >> i) & 1) << (3 * i)) | (((y >> i) & 1) << (3 * i + 1)) | (((z >> i) & 1) << (3 * i + 2))
    return code


def setup_inputs(seed: int = 0) -> dict:
    key = jax.random.key(seed)
    k1, k2 = jax.random.split(key, 2)
    raw = jax.random.normal(k1, (N_RAYS, 6), dtype=jnp.float32)
    dirs = raw[:, :3]
    dirs = dirs / (jnp.linalg.norm(dirs, axis=-1, keepdims=True) + 1e-8)
    origins = raw[:, 3:6] * 0.5
    rays_chunk = jnp.concatenate([dirs, origins], axis=-1)
    density_grid = jax.random.uniform(k2, (CASCADE, GRID_SIZE ** 3), dtype=jnp.float32)
    return {"rays_chunk": rays_chunk, "focal": 800, "density_grid": density_grid}


def reference(rays_chunk, focal, density_grid):
    # rays_chunk[:, :3] = directions, rays_chunk[:, 3:6] = origins (as in torch sample())
    rays_d = rays_chunk[:, :3]
    rays_o = rays_chunk[:, 3:6]
    # near_far_from_aabb: slab-method ray/AABB intersection with min_near clamp
    safe_d = jnp.where(jnp.abs(rays_d) > 1e-9, rays_d, 1e-9)
    inv_d = 1.0 / safe_d
    t0 = (-BOUND - rays_o) * inv_d
    t1 = (BOUND - rays_o) * inv_d
    tmin = jnp.minimum(t0, t1).max(axis=-1)
    tmax = jnp.maximum(t0, t1).min(axis=-1)
    nears = jnp.maximum(tmin, MIN_NEAR)
    hit = tmax > jnp.maximum(tmin, 0.0)
    fars = jnp.where(hit, jnp.maximum(tmax, nears), nears)
    # march_rays_train: uniform dt march (dt_gamma=0), up to MAX_STEPS per ray
    dt = 2.0 * BOUND * float(np.sqrt(3.0)) / MAX_STEPS
    steps = jnp.arange(MAX_STEPS, dtype=jnp.float32)
    ts = nears[:, None] + (steps[None, :] + 0.5) * dt  # [N, M]
    in_range = ts < fars[:, None]
    xyzs = rays_o[:, None, :] + ts[..., None] * rays_d[:, None, :]  # [N, M, 3]
    xyzs_c = jnp.clip(xyzs, -BOUND, BOUND)
    coords = jnp.clip(((xyzs_c / BOUND * 0.5 + 0.5) * GRID_SIZE).astype(jnp.int32), 0, GRID_SIZE - 1)
    idx = morton3D(coords)  # [N, M] morton codes into grid
    occ = jnp.take(density_grid[0], idx.reshape(-1), axis=0).reshape(idx.shape) > DENSITY_THRESH
    ray_valid = in_range & occ  # ragged per-ray valid-step mask (rays2ray_valid equivalent)
    z_vals = jnp.where(ray_valid, ts, 0.0)  # z_vals[ray_valid] = deltas[:, 1] (the t values)
    xyzs_out = jnp.where(ray_valid[..., None], xyzs, 0.0)
    return xyzs_out, ray_valid, jnp.int32(MAX_STEPS), z_vals

if __name__ == "__main__":
    import jax
    _d = setup_inputs()
    print(jax.jit(kernel)(*tuple(_d.values())))

</pallas_src>

<mosaic_0001>
#map = affine_map<(d0, d1) -> (0)>
module attributes {stable_mosaic.version = 14 : i64} {
  func.func @_pack_body(%arg0: i32, %arg1: i32, %arg2: memref<2097152xf32, #tpu.memory_space<hbm>>, %arg3: memref<65536xi32, #tpu.memory_space<hbm>>, %arg4: memref<65536xf32, #tpu.memory_space<vmem>>, %arg5: memref<2048xi32, #tpu.memory_space<vmem>>) attributes {dimension_semantics = [#tpu.dimension_semantics<core_parallel>, #tpu.dimension_semantics<subcore_parallel>], iteration_bounds = array<i64: 2, 16>, scalar_prefetch = 0 : i64, scratch_operands = 2 : i64, tpu.core_type = #tpu.core_type<sc_vector_subcore>, window_params = [{transform_indices = #map}, {transform_indices = #map}]} {
    %mul3A = arith.constant 2 : i32
    %mul3A_0 = arith.muli %arg1, %mul3A : i32
    %add3A = arith.addi %mul3A_0, %arg0 : i32
    %mul3A_1 = arith.constant 65536 : i32
    %mul3A_2 = arith.muli %add3A, %mul3A_1 : i32
    "tpu.region"() ({
      %run_scoped3A = tpu.sem_alloc : memref<!tpu.dma_semaphore, #tpu.memory_space<semaphore_mem>>
      %dma_start3A = tpu.memref_slice %arg2[%mul3A_2] : memref<2097152xf32, #tpu.memory_space<hbm>> -> memref<65536xf32, #tpu.memory_space<hbm>>
      %dma_start3A_10 = tpu.memref_slice %arg2[%mul3A_2] : memref<2097152xf32, #tpu.memory_space<hbm>> -> memref<65536xf32, #tpu.memory_space<hbm>>
      tpu.enqueue_dma source(%dma_start3A_10 : memref<65536xf32, #tpu.memory_space<hbm>>) target(%arg4 : memref<65536xf32, #tpu.memory_space<vmem>>) target_semaphore(%run_scoped3A : memref<!tpu.dma_semaphore, #tpu.memory_space<semaphore_mem>>)
      %dma_wait3A = tpu.memref_slice %arg2[%mul3A_2] : memref<2097152xf32, #tpu.memory_space<hbm>> -> memref<65536xf32, #tpu.memory_space<hbm>>
      %dma_wait3A_11 = tpu.memref_slice %arg2[%mul3A_2] : memref<2097152xf32, #tpu.memory_space<hbm>> -> memref<65536xf32, #tpu.memory_space<hbm>>
      tpu.wait_dma2 semaphore(%run_scoped3A : memref<!tpu.dma_semaphore, #tpu.memory_space<semaphore_mem>>) src(%dma_wait3A_11 : memref<65536xf32, #tpu.memory_space<hbm>>) dst(%arg4 : memref<65536xf32, #tpu.memory_space<vmem>>)
      tpu.yield
    }) : () -> ()
    %iota3A = tpu.iota {dimensions = array<i32: 0>} : vector<16xi32>
    %scan3A = arith.constant 0 : i32
    %scan3A_3 = arith.constant 0 : i32
    %scan3A_4 = arith.constant 128 : i32
    %scan3A_5 = arith.addi %scan3A_3, %scan3A_4 : i32
    %scan3A_6 = arith.constant 1 : i32
    scf.for %scan3A_10 = %scan3A_3 to %scan3A_5 step %scan3A_6  : i32 {
      %mul3A_11 = arith.constant 32 : i32
      %mul3A_12 = vector.broadcast %mul3A_11 : i32 to vector<16xi32>
      %mul3A_13 = arith.muli %iota3A, %mul3A_12 : vector<16xi32>
      %mul3A_14 = arith.constant 512 : i32
      %mul3A_15 = arith.muli %scan3A_10, %mul3A_14 : i32
      %add3A_16 = vector.broadcast %mul3A_15 : i32 to vector<16xi32>
      %add3A_17 = arith.addi %mul3A_13, %add3A_16 : vector<16xi32>
      %broadcast_in_dim3A = arith.constant 0 : i32
      %broadcast_in_dim3A_18 = vector.broadcast %broadcast_in_dim3A : i32 to vector<16xi32>
      %add3A_19 = arith.constant 0 : i32
      %add3A_20 = vector.broadcast %add3A_19 : i32 to vector<16xi32>
      %add3A_21 = arith.addi %add3A_17, %add3A_20 : vector<16xi32>
      %gather3A = tpu.vector_load_idx %arg4[%add3A_21] : memref<65536xf32, #tpu.memory_space<vmem>>[vector<16xi32>], vector<16xf32>,
      %gt3A = arith.constant 0.00999999977 : f32
      %gt3A_22 = vector.broadcast %gt3A : f32 to vector<16xf32>
      %gt3A_23 = arith.cmpf ogt, %gather3A, %gt3A_22 : vector<16xf32>
      %convert_element_type3A = arith.extui %gt3A_23 : vector<16xi1> to vector<16xi32>
      %shift_left3A = arith.constant 0 : i32
      %shift_left3A_24 = vector.broadcast %shift_left3A : i32 to vector<16xi32>
      %shift_left3A_25 = arith.shli %convert_element_type3A, %shift_left3A_24 : vector<16xi32>
      %or3A = arith.ori %broadcast_in_dim3A_18, %shift_left3A_25 : vector<16xi32>
      %add3A_26 = arith.constant 1 : i32
      %add3A_27 = vector.broadcast %add3A_26 : i32 to vector<16xi32>
      %add3A_28 = arith.addi %add3A_17, %add3A_27 : vector<16xi32>
      %gather3A_29 = tpu.vector_load_idx %arg4[%add3A_28] : memref<65536xf32, #tpu.memory_space<vmem>>[vector<16xi32>], vector<16xf32>,
      %gt3A_30 = arith.constant 0.00999999977 : f32
      %gt3A_31 = vector.broadcast %gt3A_30 : f32 to vector<16xf32>
      %gt3A_32 = arith.cmpf ogt, %gather3A_29, %gt3A_31 : vector<16xf32>
      %convert_element_type3A_33 = arith.extui %gt3A_32 : vector<16xi1> to vector<16xi32>
      %shift_left3A_34 = arith.constant 1 : i32
      %shift_left3A_35 = vector.broadcast %shift_left3A_34 : i32 to vector<16xi32>
      %shift_left3A_36 = arith.shli %convert_element_type3A_33, %shift_left3A_35 : vector<16xi32>
      %or3A_37 = arith.ori %or3A, %shift_left3A_36 : vector<16xi32>
      %add3A_38 = arith.constant 2 : i32
      %add3A_39 = vector.broadcast %add3A_38 : i32 to vector<16xi32>
      %add3A_40 = arith.addi %add3A_17, %add3A_39 : vector<16xi32>
      %gather3A_41 = tpu.vector_load_idx %arg4[%add3A_40] : memref<65536xf32, #tpu.memory_space<vmem>>[vector<16xi32>], vector<16xf32>,
      %gt3A_42 = arith.constant 0.00999999977 : f32
      %gt3A_43 = vector.broadcast %gt3A_42 : f32 to vector<16xf32>
      %gt3A_44 = arith.cmpf ogt, %gather3A_41, %gt3A_43 : vector<16xf32>
      %convert_element_type3A_45 = arith.extui %gt3A_44 : vector<16xi1> to vector<16xi32>
      %shift_left3A_46 = arith.constant 2 : i32
      %shift_left3A_47 = vector.broadcast %shift_left3A_46 : i32 to vector<16xi32>
      %shift_left3A_48 = arith.shli %convert_element_type3A_45, %shift_left3A_47 : vector<16xi32>
      %or3A_49 = arith.ori %or3A_37, %shift_left3A_48 : vector<16xi32>
      %add3A_50 = arith.constant 3 : i32
      %add3A_51 = vector.broadcast %add3A_50 : i32 to vector<16xi32>
      %add3A_52 = arith.addi %add3A_17, %add3A_51 : vector<16xi32>
      %gather3A_53 = tpu.vector_load_idx %arg4[%add3A_52] : memref<65536xf32, #tpu.memory_space<vmem>>[vector<16xi32>], vector<16xf32>,
      %gt3A_54 = arith.constant 0.00999999977 : f32
      %gt3A_55 = vector.broadcast %gt3A_54 : f32 to vector<16xf32>
      %gt3A_56 = arith.cmpf ogt, %gather3A_53, %gt3A_55 : vector<16xf32>
      %convert_element_type3A_57 = arith.extui %gt3A_56 : vector<16xi1> to vector<16xi32>
      %shift_left3A_58 = arith.constant 3 : i32
      %shift_left3A_59 = vector.broadcast %shift_left3A_58 : i32 to vector<16xi32>
      %shift_left3A_60 = arith.shli %convert_element_type3A_57, %shift_left3A_59 : vector<16xi32>
      %or3A_61 = arith.ori %or3A_49, %shift_left3A_60 : vector<16xi32>
      %add3A_62 = arith.constant 4 : i32
      %add3A_63 = vector.broadcast %add3A_62 : i32 to vector<16xi32>
      %add3A_64 = arith.addi %add3A_17, %add3A_63 : vector<16xi32>
      %gather3A_65 = tpu.vector_load_idx %arg4[%add3A_64] : memref<65536xf32, #tpu.memory_space<vmem>>[vector<16xi32>], vector<16xf32>,
      %gt3A_66 = arith.constant 0.00999999977 : f32
      %gt3A_67 = vector.broadcast %gt3A_66 : f32 to vector<16xf32>
      %gt3A_68 = arith.cmpf ogt, %gather3A_65, %gt3A_67 : vector<16xf32>
      %convert_element_type3A_69 = arith.extui %gt3A_68 : vector<16xi1> to vector<16xi32>
      %shift_left3A_70 = arith.constant 4 : i32
      %shift_left3A_71 = vector.broadcast %shift_left3A_70 : i32 to vector<16xi32>
      %shift_left3A_72 = arith.shli %convert_element_type3A_69, %shift_left3A_71 : vector<16xi32>
      %or3A_73 = arith.ori %or3A_61, %shift_left3A_72 : vector<16xi32>
      %add3A_74 = arith.constant 5 : i32
      %add3A_75 = vector.broadcast %add3A_74 : i32 to vector<16xi32>
      %add3A_76 = arith.addi %add3A_17, %add3A_75 : vector<16xi32>
      %gather3A_77 = tpu.vector_load_idx %arg4[%add3A_76] : memref<65536xf32, #tpu.memory_space<vmem>>[vector<16xi32>], vector<16xf32>,
      %gt3A_78 = arith.constant 0.00999999977 : f32
      %gt3A_79 = vector.broadcast %gt3A_78 : f32 to vector<16xf32>
      %gt3A_80 = arith.cmpf ogt, %gather3A_77, %gt3A_79 : vector<16xf32>
      %convert_element_type3A_81 = arith.extui %gt3A_80 : vector<16xi1> to vector<16xi32>
      %shift_left3A_82 = arith.constant 5 : i32
      %shift_left3A_83 = vector.broadcast %shift_left3A_82 : i32 to vector<16xi32>
      %shift_left3A_84 = arith.shli %convert_element_type3A_81, %shift_left3A_83 : vector<16xi32>
      %or3A_85 = arith.ori %or3A_73, %shift_left3A_84 : vector<16xi32>
      %add3A_86 = arith.constant 6 : i32
      %add3A_87 = vector.broadcast %add3A_86 : i32 to vector<16xi32>
      %add3A_88 = arith.addi %add3A_17, %add3A_87 : vector<16xi32>
      %gather3A_89 = tpu.vector_load_idx %arg4[%add3A_88] : memref<65536xf32, #tpu.memory_space<vmem>>[vector<16xi32>], vector<16xf32>,
      %gt3A_90 = arith.constant 0.00999999977 : f32
      %gt3A_91 = vector.broadcast %gt3A_90 : f32 to vector<16xf32>
      %gt3A_92 = arith.cmpf ogt, %gather3A_89, %gt3A_91 : vector<16xf32>
      %convert_element_type3A_93 = arith.extui %gt3A_92 : vector<16xi1> to vector<16xi32>
      %shift_left3A_94 = arith.constant 6 : i32
      %shift_left3A_95 = vector.broadcast %shift_left3A_94 : i32 to vector<16xi32>
      %shift_left3A_96 = arith.shli %convert_element_type3A_93, %shift_left3A_95 : vector<16xi32>
      %or3A_97 = arith.ori %or3A_85, %shift_left3A_96 : vector<16xi32>
      %add3A_98 = arith.constant 7 : i32
      %add3A_99 = vector.broadcast %add3A_98 : i32 to vector<16xi32>
      %add3A_100 = arith.addi %add3A_17, %add3A_99 : vector<16xi32>
      %gather3A_101 = tpu.vector_load_idx %arg4[%add3A_100] : memref<65536xf32, #tpu.memory_space<vmem>>[vector<16xi32>], vector<16xf32>,
      %gt3A_102 = arith.constant 0.00999999977 : f32
      %gt3A_103 = vector.broadcast %gt3A_102 : f32 to vector<16xf32>
      %gt3A_104 = arith.cmpf ogt, %gather3A_101, %gt3A_103 : vector<16xf32>
      %convert_element_type3A_105 = arith.extui %gt3A_104 : vector<16xi1> to vector<16xi32>
      %shift_left3A_106 = arith.constant 7 : i32
      %shift_left3A_107 = vector.broadcast %shift_left3A_106 : i32 to vector<16xi32>
      %shift_left3A_108 = arith.shli %convert_element_type3A_105, %shift_left3A_107 : vector<16xi32>
      %or3A_109 = arith.ori %or3A_97, %shift_left3A_108 : vector<16xi32>
      %add3A_110 = arith.constant 8 : i32
      %add3A_111 = vector.broadcast %add3A_110 : i32 to vector<16xi32>
      %add3A_112 = arith.addi %add3A_17, %add3A_111 : vector<16xi32>
      %gather3A_113 = tpu.vector_load_idx %arg4[%add3A_112] : memref<65536xf32, #tpu.memory_space<vmem>>[vector<16xi32>], vector<16xf32>,
      %gt3A_114 = arith.constant 0.00999999977 : f32
      %gt3A_115 = vector.broadcast %gt3A_114 : f32 to vector<16xf32>
      %gt3A_116 = arith.cmpf ogt, %gather3A_113, %gt3A_115 : vector<16xf32>
      %convert_element_type3A_117 = arith.extui %gt3A_116 : vector<16xi1> to vector<16xi32>
      %shift_left3A_118 = arith.constant 8 : i32
      %shift_left3A_119 = vector.broadcast %shift_left3A_118 : i32 to vector<16xi32>
      %shift_left3A_120 = arith.shli %convert_element_type3A_117, %shift_left3A_119 : vector<16xi32>
      %or3A_121 = arith.ori %or3A_109, %shift_left3A_120 : vector<16xi32>
      %add3A_122 = arith.constant 9 : i32
      %add3A_123 = vector.broadcast %add3A_122 : i32 to vector<16xi32>
      %add3A_124 = arith.addi %add3A_17, %add3A_123 : vector<16xi32>
      %gather3A_125 = tpu.vector_load_idx %arg4[%add3A_124] : memref<65536xf32, #tpu.memory_space<vmem>>[vector<16xi32>], vector<16xf32>,
      %gt3A_126 = arith.constant 0.00999999977 : f32
      %gt3A_127 = vector.broadcast %gt3A_126 : f32 to vector<16xf32>
      %gt3A_128 = arith.cmpf ogt, %gather3A_125, %gt3A_127 : vector<16xf32>
      %convert_element_type3A_129 = arith.extui %gt3A_128 : vector<16xi1> to vector<16xi32>
      %shift_left3A_130 = arith.constant 9 : i32
      %shift_left3A_131 = vector.broadcast %shift_left3A_130 : i32 to vector<16xi32>
      %shift_left3A_132 = arith.shli %convert_element_type3A_129, %shift_left3A_131 : vector<16xi32>
      %or3A_133 = arith.ori %or3A_121, %shift_left3A_132 : vector<16xi32>
      %add3A_134 = arith.constant 10 : i32
      %add3A_135 = vector.broadcast %add3A_134 : i32 to vector<16xi32>
      %add3A_136 = arith.addi %add3A_17, %add3A_135 : vector<16xi32>
      %gather3A_137 = tpu.vector_load_idx %arg4[%add3A_136] : memref<65536xf32, #tpu.memory_space<vmem>>[vector<16xi32>], vector<16xf32>,
      %gt3A_138 = arith.constant 0.00999999977 : f32
      %gt3A_139 = vector.broadcast %gt3A_138 : f32 to vector<16xf32>
      %gt3A_140 = arith.cmpf ogt, %gather3A_137, %gt3A_139 : vector<16xf32>
      %convert_element_type3A_141 = arith.extui %gt3A_140 : vector<16xi1> to vector<16xi32>
      %shift_left3A_142 = arith.constant 10 : i32
      %shift_left3A_143 = vector.broadcast %shift_left3A_142 : i32 to vector<16xi32>
      %shift_left3A_144 = arith.shli %convert_element_type3A_141, %shift_left3A_143 : vector<16xi32>
      %or3A_145 = arith.ori %or3A_133, %shift_left3A_144 : vector<16xi32>
      %add3A_146 = arith.constant 11 : i32
      %add3A_147 = vector.broadcast %add3A_146 : i32 to vector<16xi32>
      %add3A_148 = arith.addi %add3A_17, %add3A_147 : vector<16xi32>
      %gather3A_149 = tpu.vector_load_idx %arg4[%add3A_148] : memref<65536xf32, #tpu.memory_space<vmem>>[vector<16xi32>], vector<16xf32>,
      %gt3A_150 = arith.constant 0.00999999977 : f32
      %gt3A_151 = vector.broadcast %gt3A_150 : f32 to vector<16xf32>
      %gt3A_152 = arith.cmpf ogt, %gather3A_149, %gt3A_151 : vector<16xf32>
      %convert_element_type3A_153 = arith.extui %gt3A_152 : vector<16xi1> to vector<16xi32>
      %shift_left3A_154 = arith.constant 11 : i32
      %shift_left3A_155 = vector.broadcast %shift_left3A_154 : i32 to vector<16xi32>
      %shift_left3A_156 = arith.shli %convert_element_type3A_153, %shift_left3A_155 : vector<16xi32>
      %or3A_157 = arith.ori %or3A_145, %shift_left3A_156 : vector<16xi32>
      %add3A_158 = arith.constant 12 : i32
      %add3A_159 = vector.broadcast %add3A_158 : i32 to vector<16xi32>
      %add3A_160 = arith.addi %add3A_17, %add3A_159 : vector<16xi32>
      %gather3A_161 = tpu.vector_load_idx %arg4[%add3A_160] : memref<65536xf32, #tpu.memory_space<vmem>>[vector<16xi32>], vector<16xf32>,
      %gt3A_162 = arith.constant 0.00999999977 : f32
      %gt3A_163 = vector.broadcast %gt3A_162 : f32 to vector<16xf32>
      %gt3A_164 = arith.cmpf ogt, %gather3A_161, %gt3A_163 : vector<16xf32>
      %convert_element_type3A_165 = arith.extui %gt3A_164 : vector<16xi1> to vector<16xi32>
      %shift_left3A_166 = arith.constant 12 : i32
      %shift_left3A_167 = vector.broadcast %shift_left3A_166 : i32 to vector<16xi32>
      %shift_left3A_168 = arith.shli %convert_element_type3A_165, %shift_left3A_167 : vector<16xi32>
      %or3A_169 = arith.ori %or3A_157, %shift_left3A_168 : vector<16xi32>
      %add3A_170 = arith.constant 13 : i32
      %add3A_171 = vector.broadcast %add3A_170 : i32 to vector<16xi32>
      %add3A_172 = arith.addi %add3A_17, %add3A_171 : vector<16xi32>
      %gather3A_173 = tpu.vector_load_idx %arg4[%add3A_172] : memref<65536xf32, #tpu.memory_space<vmem>>[vector<16xi32>], vector<16xf32>,
      %gt3A_174 = arith.constant 0.00999999977 : f32
      %gt3A_175 = vector.broadcast %gt3A_174 : f32 to vector<16xf32>
      %gt3A_176 = arith.cmpf ogt, %gather3A_173, %gt3A_175 : vector<16xf32>
      %convert_element_type3A_177 = arith.extui %gt3A_176 : vector<16xi1> to vector<16xi32>
      %shift_left3A_178 = arith.constant 13 : i32
      %shift_left3A_179 = vector.broadcast %shift_left3A_178 : i32 to vector<16xi32>
      %shift_left3A_180 = arith.shli %convert_element_type3A_177, %shift_left3A_179 : vector<16xi32>
      %or3A_181 = arith.ori %or3A_169, %shift_left3A_180 : vector<16xi32>
      %add3A_182 = arith.constant 14 : i32
      %add3A_183 = vector.broadcast %add3A_182 : i32 to vector<16xi32>
      %add3A_184 = arith.addi %add3A_17, %add3A_183 : vector<16xi32>
      %gather3A_185 = tpu.vector_load_idx %arg4[%add3A_184] : memref<65536xf32, #tpu.memory_space<vmem>>[vector<16xi32>], vector<16xf32>,
      %gt3A_186 = arith.constant 0.00999999977 : f32
      %gt3A_187 = vector.broadcast %gt3A_186 : f32 to vector<16xf32>
      %gt3A_188 = arith.cmpf ogt, %gather3A_185, %gt3A_187 : vector<16xf32>
      %convert_element_type3A_189 = arith.extui %gt3A_188 : vector<16xi1> to vector<16xi32>
      %shift_left3A_190 = arith.constant 14 : i32
      %shift_left3A_191 = vector.broadcast %shift_left3A_190 : i32 to vector<16xi32>
      %shift_left3A_192 = arith.shli %convert_element_type3A_189, %shift_left3A_191 : vector<16xi32>
      %or3A_193 = arith.ori %or3A_181, %shift_left3A_192 : vector<16xi32>
      %add3A_194 = arith.constant 15 : i32
      %add3A_195 = vector.broadcast %add3A_194 : i32 to vector<16xi32>
      %add3A_196 = arith.addi %add3A_17, %add3A_195 : vector<16xi32>
      %gather3A_197 = tpu.vector_load_idx %arg4[%add3A_196] : memref<65536xf32, #tpu.memory_space<vmem>>[vector<16xi32>], vector<16xf32>,
      %gt3A_198 = arith.constant 0.00999999977 : f32
      %gt3A_199 = vector.broadcast %gt3A_198 : f32 to vector<16xf32>
      %gt3A_200 = arith.cmpf ogt, %gather3A_197, %gt3A_199 : vector<16xf32>
      %convert_element_type3A_201 = arith.extui %gt3A_200 : vector<16xi1> to vector<16xi32>
      %shift_left3A_202 = arith.constant 15 : i32
      %shift_left3A_203 = vector.broadcast %shift_left3A_202 : i32 to vector<16xi32>
      %shift_left3A_204 = arith.shli %convert_element_type3A_201, %shift_left3A_203 : vector<16xi32>
      %or3A_205 = arith.ori %or3A_193, %shift_left3A_204 : vector<16xi32>
      %add3A_206 = arith.constant 16 : i32
      %add3A_207 = vector.broadcast %add3A_206 : i32 to vector<16xi32>
      %add3A_208 = arith.addi %add3A_17, %add3A_207 : vector<16xi32>
      %gather3A_209 = tpu.vector_load_idx %arg4[%add3A_208] : memref<65536xf32, #tpu.memory_space<vmem>>[vector<16xi32>], vector<16xf32>,
      %gt3A_210 = arith.constant 0.00999999977 : f32
      %gt3A_211 = vector.broadcast %gt3A_210 : f32 to vector<16xf32>
      %gt3A_212 = arith.cmpf ogt, %gather3A_209, %gt3A_211 : vector<16xf32>
      %convert_element_type3A_213 = arith.extui %gt3A_212 : vector<16xi1> to vector<16xi32>
      %shift_left3A_214 = arith.constant 16 : i32
      %shift_left3A_215 = vector.broadcast %shift_left3A_214 : i32 to vector<16xi32>
      %shift_left3A_216 = arith.shli %convert_element_type3A_213, %shift_left3A_215 : vector<16xi32>
      %or3A_217 = arith.ori %or3A_205, %shift_left3A_216 : vector<16xi32>
      %add3A_218 = arith.constant 17 : i32
      %add3A_219 = vector.broadcast %add3A_218 : i32 to vector<16xi32>
      %add3A_220 = arith.addi %add3A_17, %add3A_219 : vector<16xi32>
      %gather3A_221 = tpu.vector_load_idx %arg4[%add3A_220] : memref<65536xf32, #tpu.memory_space<vmem>>[vector<16xi32>], vector<16xf32>,
      %gt3A_222 = arith.constant 0.00999999977 : f32
      %gt3A_223 = vector.broadcast %gt3A_222 : f32 to vector<16xf32>
      %gt3A_224 = arith.cmpf ogt, %gather3A_221, %gt3A_223 : vector<16xf32>
      %convert_element_type3A_225 = arith.extui %gt3A_224 : vector<16xi1> to vector<16xi32>
      %shift_left3A_226 = arith.constant 17 : i32
      %shift_left3A_227 = vector.broadcast %shift_left3A_226 : i32 to vector<16xi32>
      %shift_left3A_228 = arith.shli %convert_element_type3A_225, %shift_left3A_227 : vector<16xi32>
      %or3A_229 = arith.ori %or3A_217, %shift_left3A_228 : vector<16xi32>
      %add3A_230 = arith.constant 18 : i32
      %add3A_231 = vector.broadcast %add3A_230 : i32 to vector<16xi32>
      %add3A_232 = arith.addi %add3A_17, %add3A_231 : vector<16xi32>
      %gather3A_233 = tpu.vector_load_idx %arg4[%add3A_232] : memref<65536xf32, #tpu.memory_space<vmem>>[vector<16xi32>], vector<16xf32>,
      %gt3A_234 = arith.constant 0.00999999977 : f32
      %gt3A_235 = vector.broadcast %gt3A_234 : f32 to vector<16xf32>
      %gt3A_236 = arith.cmpf ogt, %gather3A_233, %gt3A_235 : vector<16xf32>
      %convert_element_type3A_237 = arith.extui %gt3A_236 : vector<16xi1> to vector<16xi32>
      %shift_left3A_238 = arith.constant 18 : i32
      %shift_left3A_239 = vector.broadcast %shift_left3A_238 : i32 to vector<16xi32>
      %shift_left3A_240 = arith.shli %convert_element_type3A_237, %shift_left3A_239 : vector<16xi32>
      %or3A_241 = arith.ori %or3A_229, %shift_left3A_240 : vector<16xi32>
      %add3A_242 = arith.constant 19 : i32
      %add3A_243 = vector.broadcast %add3A_242 : i32 to vector<16xi32>
      %add3A_244 = arith.addi %add3A_17, %add3A_243 : vector<16xi32>
      %gather3A_245 = tpu.vector_load_idx %arg4[%add3A_244] : memref<65536xf32, #tpu.memory_space<vmem>>[vector<16xi32>], vector<16xf32>,
      %gt3A_246 = arith.constant 0.00999999977 : f32
      %gt3A_247 = vector.broadcast %gt3A_246 : f32 to vector<16xf32>
      %gt3A_248 = arith.cmpf ogt, %gather3A_245, %gt3A_247 : vector<16xf32>
      %convert_element_type3A_249 = arith.extui %gt3A_248 : vector<16xi1> to vector<16xi32>
      %shift_left3A_250 = arith.constant 19 : i32
      %shift_left3A_251 = vector.broadcast %shift_left3A_250 : i32 to vector<16xi32>
      %shift_left3A_252 = arith.shli %convert_element_type3A_249, %shift_left3A_251 : vector<16xi32>
      %or3A_253 = arith.ori %or3A_241, %shift_left3A_252 : vector<16xi32>
      %add3A_254 = arith.constant 20 : i32
      %add3A_255 = vector.broadcast %add3A_254 : i32 to vector<16xi32>
      %add3A_256 = arith.addi %add3A_17, %add3A_255 : vector<16xi32>
      %gather3A_257 = tpu.vector_load_idx %arg4[%add3A_256] : memref<65536xf32, #tpu.memory_space<vmem>>[vector<16xi32>], vector<16xf32>,
      %gt3A_258 = arith.constant 0.00999999977 : f32
      %gt3A_259 = vector.broadcast %gt3A_258 : f32 to vector<16xf32>
      %gt3A_260 = arith.cmpf ogt, %gather3A_257, %gt3A_259 : vector<16xf32>
      %convert_element_type3A_261 = arith.extui %gt3A_260 : vector<16xi1> to vector<16xi32>
      %shift_left3A_262 = arith.constant 20 : i32
      %shift_left3A_263 = vector.broadcast %shift_left3A_262 : i32 to vector<16xi32>
      %shift_left3A_264 = arith.shli %convert_element_type3A_261, %shift_left3A_263 : vector<16xi32>
      %or3A_265 = arith.ori %or3A_253, %shift_left3A_264 : vector<16xi32>
      %add3A_266 = arith.constant 21 : i32
      %add3A_267 = vector.broadcast %add3A_266 : i32 to vector<16xi32>
      %add3A_268 = arith.addi %add3A_17, %add3A_267 : vector<16xi32>
      %gather3A_269 = tpu.vector_load_idx %arg4[%add3A_268] : memref<65536xf32, #tpu.memory_space<vmem>>[vector<16xi32>], vector<16xf32>,
      %gt3A_270 = arith.constant 0.00999999977 : f32
      %gt3A_271 = vector.broadcast %gt3A_270 : f32 to vector<16xf32>
      %gt3A_272 = arith.cmpf ogt, %gather3A_269, %gt3A_271 : vector<16xf32>
      %convert_element_type3A_273 = arith.extui %gt3A_272 : vector<16xi1> to vector<16xi32>
      %shift_left3A_274 = arith.constant 21 : i32
      %shift_left3A_275 = vector.broadcast %shift_left3A_274 : i32 to vector<16xi32>
      %shift_left3A_276 = arith.shli %convert_element_type3A_273, %shift_left3A_275 : vector<16xi32>
      %or3A_277 = arith.ori %or3A_265, %shift_left3A_276 : vector<16xi32>
      %add3A_278 = arith.constant 22 : i32
      %add3A_279 = vector.broadcast %add3A_278 : i32 to vector<16xi32>
      %add3A_280 = arith.addi %add3A_17, %add3A_279 : vector<16xi32>
      %gather3A_281 = tpu.vector_load_idx %arg4[%add3A_280] : memref<65536xf32, #tpu.memory_space<vmem>>[vector<16xi32>], vector<16xf32>,
      %gt3A_282 = arith.constant 0.00999999977 : f32
      %gt3A_283 = vector.broadcast %gt3A_282 : f32 to vector<16xf32>
      %gt3A_284 = arith.cmpf ogt, %gather3A_281, %gt3A_283 : vector<16xf32>
      %convert_element_type3A_285 = arith.extui %gt3A_284 : vector<16xi1> to vector<16xi32>
      %shift_left3A_286 = arith.constant 22 : i32
      %shift_left3A_287 = vector.broadcast %shift_left3A_286 : i32 to vector<16xi32>
      %shift_left3A_288 = arith.shli %convert_element_type3A_285, %shift_left3A_287 : vector<16xi32>
      %or3A_289 = arith.ori %or3A_277, %shift_left3A_288 : vector<16xi32>
      %add3A_290 = arith.constant 23 : i32
      %add3A_291 = vector.broadcast %add3A_290 : i32 to vector<16xi32>
      %add3A_292 = arith.addi %add3A_17, %add3A_291 : vector<16xi32>
      %gather3A_293 = tpu.vector_load_idx %arg4[%add3A_292] : memref<65536xf32, #tpu.memory_space<vmem>>[vector<16xi32>], vector<16xf32>,
      %gt3A_294 = arith.constant 0.00999999977 : f32
      %gt3A_295 = vector.broadcast %gt3A_294 : f32 to vector<16xf32>
      %gt3A_296 = arith.cmpf ogt, %gather3A_293, %gt3A_295 : vector<16xf32>
      %convert_element_type3A_297 = arith.extui %gt3A_296 : vector<16xi1> to vector<16xi32>
      %shift_left3A_298 = arith.constant 23 : i32
      %shift_left3A_299 = vector.broadcast %shift_left3A_298 : i32 to vector<16xi32>
      %shift_left3A_300 = arith.shli %convert_element_type3A_297, %shift_left3A_299 : vector<16xi32>
      %or3A_301 = arith.ori %or3A_289, %shift_left3A_300 : vector<16xi32>
      %add3A_302 = arith.constant 24 : i32
      %add3A_303 = vector.broadcast %add3A_302 : i32 to vector<16xi32>
      %add3A_304 = arith.addi %add3A_17, %add3A_303 : vector<16xi32>
      %gather3A_305 = tpu.vector_load_idx %arg4[%add3A_304] : memref<65536xf32, #tpu.memory_space<vmem>>[vector<16xi32>], vector<16xf32>,
      %gt3A_306 = arith.constant 0.00999999977 : f32
      %gt3A_307 = vector.broadcast %gt3A_306 : f32 to vector<16xf32>
      %gt3A_308 = arith.cmpf ogt, %gather3A_305, %gt3A_307 : vector<16xf32>
      %convert_element_type3A_309 = arith.extui %gt3A_308 : vector<16xi1> to vector<16xi32>
      %shift_left3A_310 = arith.constant 24 : i32
      %shift_left3A_311 = vector.broadcast %shift_left3A_310 : i32 to vector<16xi32>
      %shift_left3A_312 = arith.shli %convert_element_type3A_309, %shift_left3A_311 : vector<16xi32>
      %or3A_313 = arith.ori %or3A_301, %shift_left3A_312 : vector<16xi32>
      %add3A_314 = arith.constant 25 : i32
      %add3A_315 = vector.broadcast %add3A_314 : i32 to vector<16xi32>
      %add3A_316 = arith.addi %add3A_17, %add3A_315 : vector<16xi32>
      %gather3A_317 = tpu.vector_load_idx %arg4[%add3A_316] : memref<65536xf32, #tpu.memory_space<vmem>>[vector<16xi32>], vector<16xf32>,
      %gt3A_318 = arith.constant 0.00999999977 : f32
      %gt3A_319 = vector.broadcast %gt3A_318 : f32 to vector<16xf32>
      %gt3A_320 = arith.cmpf ogt, %gather3A_317, %gt3A_319 : vector<16xf32>
      %convert_element_type3A_321 = arith.extui %gt3A_320 : vector<16xi1> to vector<16xi32>
      %shift_left3A_322 = arith.constant 25 : i32
      %shift_left3A_323 = vector.broadcast %shift_left3A_322 : i32 to vector<16xi32>
      %shift_left3A_324 = arith.shli %convert_element_type3A_321, %shift_left3A_323 : vector<16xi32>
      %or3A_325 = arith.ori %or3A_313, %shift_left3A_324 : vector<16xi32>
      %add3A_326 = arith.constant 26 : i32
      %add3A_327 = vector.broadcast %add3A_326 : i32 to vector<16xi32>
      %add3A_328 = arith.addi %add3A_17, %add3A_327 : vector<16xi32>
      %gather3A_329 = tpu.vector_load_idx %arg4[%add3A_328] : memref<65536xf32, #tpu.memory_space<vmem>>[vector<16xi32>], vector<16xf32>,
      %gt3A_330 = arith.constant 0.00999999977 : f32
      %gt3A_331 = vector.broadcast %gt3A_330 : f32 to vector<16xf32>
      %gt3A_332 = arith.cmpf ogt, %gather3A_329, %gt3A_331 : vector<16xf32>
      %convert_element_type3A_333 = arith.extui %gt3A_332 : vector<16xi1> to vector<16xi32>
      %shift_left3A_334 = arith.constant 26 : i32
      %shift_left3A_335 = vector.broadcast %shift_left3A_334 : i32 to vector<16xi32>
      %shift_left3A_336 = arith.shli %convert_element_type3A_333, %shift_left3A_335 : vector<16xi32>
      %or3A_337 = arith.ori %or3A_325, %shift_left3A_336 : vector<16xi32>
      %add3A_338 = arith.constant 27 : i32
      %add3A_339 = vector.broadcast %add3A_338 : i32 to vector<16xi32>
      %add3A_340 = arith.addi %add3A_17, %add3A_339 : vector<16xi32>
      %gather3A_341 = tpu.vector_load_idx %arg4[%add3A_340] : memref<65536xf32, #tpu.memory_space<vmem>>[vector<16xi32>], vector<16xf32>,
      %gt3A_342 = arith.constant 0.00999999977 : f32
      %gt3A_343 = vector.broadcast %gt3A_342 : f32 to vector<16xf32>
      %gt3A_344 = arith.cmpf ogt, %gather3A_341, %gt3A_343 : vector<16xf32>
      %convert_element_type3A_345 = arith.extui %gt3A_344 : vector<16xi1> to vector<16xi32>
      %shift_left3A_346 = arith.constant 27 : i32
      %shift_left3A_347 = vector.broadcast %shift_left3A_346 : i32 to vector<16xi32>
      %shift_left3A_348 = arith.shli %convert_element_type3A_345, %shift_left3A_347 : vector<16xi32>
      %or3A_349 = arith.ori %or3A_337, %shift_left3A_348 : vector<16xi32>
      %add3A_350 = arith.constant 28 : i32
      %add3A_351 = vector.broadcast %add3A_350 : i32 to vector<16xi32>
      %add3A_352 = arith.addi %add3A_17, %add3A_351 : vector<16xi32>
      %gather3A_353 = tpu.vector_load_idx %arg4[%add3A_352] : memref<65536xf32, #tpu.memory_space<vmem>>[vector<16xi32>], vector<16xf32>,
      %gt3A_354 = arith.constant 0.00999999977 : f32
      %gt3A_355 = vector.broadcast %gt3A_354 : f32 to vector<16xf32>
      %gt3A_356 = arith.cmpf ogt, %gather3A_353, %gt3A_355 : vector<16xf32>
      %convert_element_type3A_357 = arith.extui %gt3A_356 : vector<16xi1> to vector<16xi32>
      %shift_left3A_358 = arith.constant 28 : i32
      %shift_left3A_359 = vector.broadcast %shift_left3A_358 : i32 to vector<16xi32>
      %shift_left3A_360 = arith.shli %convert_element_type3A_357, %shift_left3A_359 : vector<16xi32>
      %or3A_361 = arith.ori %or3A_349, %shift_left3A_360 : vector<16xi32>
      %add3A_362 = arith.constant 29 : i32
      %add3A_363 = vector.broadcast %add3A_362 : i32 to vector<16xi32>
      %add3A_364 = arith.addi %add3A_17, %add3A_363 : vector<16xi32>
      %gather3A_365 = tpu.vector_load_idx %arg4[%add3A_364] : memref<65536xf32, #tpu.memory_space<vmem>>[vector<16xi32>], vector<16xf32>,
      %gt3A_366 = arith.constant 0.00999999977 : f32
      %gt3A_367 = vector.broadcast %gt3A_366 : f32 to vector<16xf32>
      %gt3A_368 = arith.cmpf ogt, %gather3A_365, %gt3A_367 : vector<16xf32>
      %convert_element_type3A_369 = arith.extui %gt3A_368 : vector<16xi1> to vector<16xi32>
      %shift_left3A_370 = arith.constant 29 : i32
      %shift_left3A_371 = vector.broadcast %shift_left3A_370 : i32 to vector<16xi32>
      %shift_left3A_372 = arith.shli %convert_element_type3A_369, %shift_left3A_371 : vector<16xi32>
      %or3A_373 = arith.ori %or3A_361, %shift_left3A_372 : vector<16xi32>
      %add3A_374 = arith.constant 30 : i32
      %add3A_375 = vector.broadcast %add3A_374 : i32 to vector<16xi32>
      %add3A_376 = arith.addi %add3A_17, %add3A_375 : vector<16xi32>
      %gather3A_377 = tpu.vector_load_idx %arg4[%add3A_376] : memref<65536xf32, #tpu.memory_space<vmem>>[vector<16xi32>], vector<16xf32>,
      %gt3A_378 = arith.constant 0.00999999977 : f32
      %gt3A_379 = vector.broadcast %gt3A_378 : f32 to vector<16xf32>
      %gt3A_380 = arith.cmpf ogt, %gather3A_377, %gt3A_379 : vector<16xf32>
      %convert_element_type3A_381 = arith.extui %gt3A_380 : vector<16xi1> to vector<16xi32>
      %shift_left3A_382 = arith.constant 30 : i32
      %shift_left3A_383 = vector.broadcast %shift_left3A_382 : i32 to vector<16xi32>
      %shift_left3A_384 = arith.shli %convert_element_type3A_381, %shift_left3A_383 : vector<16xi32>
      %or3A_385 = arith.ori %or3A_373, %shift_left3A_384 : vector<16xi32>
      %add3A_386 = arith.constant 31 : i32
      %add3A_387 = vector.broadcast %add3A_386 : i32 to vector<16xi32>
      %add3A_388 = arith.addi %add3A_17, %add3A_387 : vector<16xi32>
      %gather3A_389 = tpu.vector_load_idx %arg4[%add3A_388] : memref<65536xf32, #tpu.memory_space<vmem>>[vector<16xi32>], vector<16xf32>,
      %gt3A_390 = arith.constant 0.00999999977 : f32
      %gt3A_391 = vector.broadcast %gt3A_390 : f32 to vector<16xf32>
      %gt3A_392 = arith.cmpf ogt, %gather3A_389, %gt3A_391 : vector<16xf32>
      %convert_element_type3A_393 = arith.extui %gt3A_392 : vector<16xi1> to vector<16xi32>
      %shift_left3A_394 = arith.constant 31 : i32
      %shift_left3A_395 = vector.broadcast %shift_left3A_394 : i32 to vector<16xi32>
      %shift_left3A_396 = arith.shli %convert_element_type3A_393, %shift_left3A_395 : vector<16xi32>
      %or3A_397 = arith.ori %or3A_385, %shift_left3A_396 : vector<16xi32>
      %mul3A_398 = arith.constant 16 : i32
      %mul3A_399 = arith.muli %scan3A_10, %mul3A_398 : i32
      %swap3A = arith.index_cast %mul3A_399 : i32 to index
      %swap3A_400 = tpu.vector_load %arg5[%swap3A] {strides = array<i32>} : memref<2048xi32, #tpu.memory_space<vmem>>, vector<16xi32>,
      tpu.vector_store %arg5[%swap3A], %or3A_397 {strides = array<i32>} : memref<2048xi32, #tpu.memory_space<vmem>>, vector<16xi32>,
    }
    %scan3A_7 = arith.constant 128 : i32
    %mul3A_8 = arith.constant 2048 : i32
    %mul3A_9 = arith.muli %add3A, %mul3A_8 : i32
    "tpu.region"() ({
      %run_scoped3A = tpu.sem_alloc : memref<!tpu.dma_semaphore, #tpu.memory_space<semaphore_mem>>
      %dma_start3A = tpu.memref_slice %arg3[%mul3A_9] : memref<65536xi32, #tpu.memory_space<hbm>> -> memref<2048xi32, #tpu.memory_space<hbm>>
      %dma_start3A_10 = tpu.memref_slice %arg3[%mul3A_9] : memref<65536xi32, #tpu.memory_space<hbm>> -> memref<2048xi32, #tpu.memory_space<hbm>>
      tpu.enqueue_dma source(%arg5 : memref<2048xi32, #tpu.memory_space<vmem>>) target(%dma_start3A_10 : memref<2048xi32, #tpu.memory_space<hbm>>) target_semaphore(%run_scoped3A : memref<!tpu.dma_semaphore, #tpu.memory_space<semaphore_mem>>)
      %dma_wait3A = tpu.memref_slice %arg3[%mul3A_9] : memref<65536xi32, #tpu.memory_space<hbm>> -> memref<2048xi32, #tpu.memory_space<hbm>>
      %dma_wait3A_11 = tpu.memref_slice %arg3[%mul3A_9] : memref<65536xi32, #tpu.memory_space<hbm>> -> memref<2048xi32, #tpu.memory_space<hbm>>
      tpu.wait_dma2 semaphore(%run_scoped3A : memref<!tpu.dma_semaphore, #tpu.memory_space<semaphore_mem>>) src(%arg5 : memref<2048xi32, #tpu.memory_space<vmem>>) dst(%dma_wait3A_11 : memref<2048xi32, #tpu.memory_space<hbm>>)
      tpu.yield
    }) : () -> ()
    return
  }
}

#map = affine_map<(d0, d1) -> (0)>
module attributes {stable_mosaic.version = 14 : i64} {
  func.func @_march_body(%arg0: i32, %arg1: i32, %arg2: memref<98304xf32, #tpu.memory_space<hbm>>, %arg3: memref<65536xi32, #tpu.memory_space<hbm>>, %arg4: memref<128xi32, #tpu.memory_space<hbm>>, %arg5: memref<128xi32, #tpu.memory_space<hbm>>, %arg6: memref<128xi32, #tpu.memory_space<hbm>>, %arg7: memref<6291456xf32, #tpu.memory_space<hbm>>, %arg8: memref<2097152xf32, #tpu.memory_space<hbm>>, %arg9: memref<2097152xi32, #tpu.memory_space<hbm>>, %arg10: memref<65536xi32, #tpu.memory_space<vmem>>, %arg11: memref<3072xf32, #tpu.memory_space<vmem>>, %arg12: memref<128xi32, #tpu.memory_space<vmem>>, %arg13: memref<128xi32, #tpu.memory_space<vmem>>, %arg14: memref<128xi32, #tpu.memory_space<vmem>>, %arg15: memref<6144xf32, #tpu.memory_space<vmem>>, %arg16: memref<2048xf32, #tpu.memory_space<vmem>>, %arg17: memref<2048xi32, #tpu.memory_space<vmem>>) attributes {dimension_semantics = [#tpu.dimension_semantics<core_parallel>, #tpu.dimension_semantics<subcore_parallel>], iteration_bounds = array<i64: 2, 16>, scalar_prefetch = 0 : i64, scratch_operands = 8 : i64, tpu.core_type = #tpu.core_type<sc_vector_subcore>, window_params = [{transform_indices = #map}, {transform_indices = #map}, {transform_indices = #map}, {transform_indices = #map}, {transform_indices = #map}, {transform_indices = #map}, {transform_indices = #map}, {transform_indices = #map}]} {
    %mul3A = arith.constant 2 : i32
    %mul3A_0 = arith.muli %arg1, %mul3A : i32
    %add3A = arith.addi %mul3A_0, %arg0 : i32
    %mul3A_1 = arith.constant 512 : i32
    %mul3A_2 = arith.muli %add3A, %mul3A_1 : i32
    "tpu.region"() ({
      %run_scoped3A = tpu.sem_alloc : memref<!tpu.dma_semaphore, #tpu.memory_space<semaphore_mem>>
      tpu.enqueue_dma source(%arg3 : memref<65536xi32, #tpu.memory_space<hbm>>) target(%arg10 : memref<65536xi32, #tpu.memory_space<vmem>>) target_semaphore(%run_scoped3A : memref<!tpu.dma_semaphore, #tpu.memory_space<semaphore_mem>>)
      tpu.wait_dma2 semaphore(%run_scoped3A : memref<!tpu.dma_semaphore, #tpu.memory_space<semaphore_mem>>) src(%arg3 : memref<65536xi32, #tpu.memory_space<hbm>>) dst(%arg10 : memref<65536xi32, #tpu.memory_space<vmem>>)
      tpu.yield
    }) : () -> ()
    %mul3A_3 = arith.constant 6 : i32
    %mul3A_4 = arith.muli %mul3A_2, %mul3A_3 : i32
    "tpu.region"() ({
      %run_scoped3A = tpu.sem_alloc : memref<!tpu.dma_semaphore, #tpu.memory_space<semaphore_mem>>
      %dma_start3A = tpu.memref_slice %arg2[%mul3A_4] : memref<98304xf32, #tpu.memory_space<hbm>> -> memref<3072xf32, #tpu.memory_space<hbm>>
      %dma_start3A_19 = tpu.memref_slice %arg2[%mul3A_4] : memref<98304xf32, #tpu.memory_space<hbm>> -> memref<3072xf32, #tpu.memory_space<hbm>>
      tpu.enqueue_dma source(%dma_start3A_19 : memref<3072xf32, #tpu.memory_space<hbm>>) target(%arg11 : memref<3072xf32, #tpu.memory_space<vmem>>) target_semaphore(%run_scoped3A : memref<!tpu.dma_semaphore, #tpu.memory_space<semaphore_mem>>)
      %dma_wait3A = tpu.memref_slice %arg2[%mul3A_4] : memref<98304xf32, #tpu.memory_space<hbm>> -> memref<3072xf32, #tpu.memory_space<hbm>>
      %dma_wait3A_20 = tpu.memref_slice %arg2[%mul3A_4] : memref<98304xf32, #tpu.memory_space<hbm>> -> memref<3072xf32, #tpu.memory_space<hbm>>
      tpu.wait_dma2 semaphore(%run_scoped3A : memref<!tpu.dma_semaphore, #tpu.memory_space<semaphore_mem>>) src(%dma_wait3A_20 : memref<3072xf32, #tpu.memory_space<hbm>>) dst(%arg11 : memref<3072xf32, #tpu.memory_space<vmem>>)
      tpu.yield
    }) : () -> ()
    "tpu.region"() ({
      %run_scoped3A = tpu.sem_alloc : memref<!tpu.dma_semaphore, #tpu.memory_space<semaphore_mem>>
      tpu.enqueue_dma source(%arg4 : memref<128xi32, #tpu.memory_space<hbm>>) target(%arg12 : memref<128xi32, #tpu.memory_space<vmem>>) target_semaphore(%run_scoped3A : memref<!tpu.dma_semaphore, #tpu.memory_space<semaphore_mem>>)
      tpu.wait_dma2 semaphore(%run_scoped3A : memref<!tpu.dma_semaphore, #tpu.memory_space<semaphore_mem>>) src(%arg4 : memref<128xi32, #tpu.memory_space<hbm>>) dst(%arg12 : memref<128xi32, #tpu.memory_space<vmem>>)
      tpu.yield
    }) : () -> ()
    "tpu.region"() ({
      %run_scoped3A = tpu.sem_alloc : memref<!tpu.dma_semaphore, #tpu.memory_space<semaphore_mem>>
      tpu.enqueue_dma source(%arg5 : memref<128xi32, #tpu.memory_space<hbm>>) target(%arg13 : memref<128xi32, #tpu.memory_space<vmem>>) target_semaphore(%run_scoped3A : memref<!tpu.dma_semaphore, #tpu.memory_space<semaphore_mem>>)
      tpu.wait_dma2 semaphore(%run_scoped3A : memref<!tpu.dma_semaphore, #tpu.memory_space<semaphore_mem>>) src(%arg5 : memref<128xi32, #tpu.memory_space<hbm>>) dst(%arg13 : memref<128xi32, #tpu.memory_space<vmem>>)
      tpu.yield
    }) : () -> ()
    "tpu.region"() ({
      %run_scoped3A = tpu.sem_alloc : memref<!tpu.dma_semaphore, #tpu.memory_space<semaphore_mem>>
      tpu.enqueue_dma source(%arg6 : memref<128xi32, #tpu.memory_space<hbm>>) target(%arg14 : memref<128xi32, #tpu.memory_space<vmem>>) target_semaphore(%run_scoped3A : memref<!tpu.dma_semaphore, #tpu.memory_space<semaphore_mem>>)
      tpu.wait_dma2 semaphore(%run_scoped3A : memref<!tpu.dma_semaphore, #tpu.memory_space<semaphore_mem>>) src(%arg6 : memref<128xi32, #tpu.memory_space<hbm>>) dst(%arg14 : memref<128xi32, #tpu.memory_space<vmem>>)
      tpu.yield
    }) : () -> ()
    %iota3A = tpu.iota {dimensions = array<i32: 0>} : vector<16xi32>
    %mul3A_5 = arith.constant 6 : i32
    %mul3A_6 = vector.broadcast %mul3A_5 : i32 to vector<16xi32>
    %mul3A_7 = arith.muli %iota3A, %mul3A_6 : vector<16xi32>
    %mul3A_8 = arith.constant 128 : i32
    %mul3A_9 = vector.broadcast %mul3A_8 : i32 to vector<16xi32>
    %mul3A_10 = arith.muli %iota3A, %mul3A_9 : vector<16xi32>
    %mul3A_11 = arith.constant 384 : i32
    %mul3A_12 = vector.broadcast %mul3A_11 : i32 to vector<16xi32>
    %mul3A_13 = arith.muli %iota3A, %mul3A_12 : vector<16xi32>
    %scan3A = arith.constant 0 : i32
    %scan3A_14 = arith.constant 0 : i32
    %scan3A_15 = arith.constant 32 : i32
    %scan3A_16 = arith.addi %scan3A_14, %scan3A_15 : i32
    %scan3A_17 = arith.constant 1 : i32
    scf.for %scan3A_19 = %scan3A_14 to %scan3A_16 step %scan3A_17  : i32 {
      %mul3A_20 = arith.constant 96 : i32
      %mul3A_21 = arith.muli %scan3A_19, %mul3A_20 : i32
      %add3A_22 = vector.broadcast %mul3A_21 : i32 to vector<16xi32>
      %add3A_23 = arith.addi %mul3A_7, %add3A_22 : vector<16xi32>
      %gather3A = tpu.vector_load_idx %arg11[%add3A_23] : memref<3072xf32, #tpu.memory_space<vmem>>[vector<16xi32>], vector<16xf32>,
      %add3A_24 = arith.constant 1 : i32
      %add3A_25 = vector.broadcast %add3A_24 : i32 to vector<16xi32>
      %add3A_26 = arith.addi %add3A_23, %add3A_25 : vector<16xi32>
      %gather3A_27 = tpu.vector_load_idx %arg11[%add3A_26] : memref<3072xf32, #tpu.memory_space<vmem>>[vector<16xi32>], vector<16xf32>,
      %add3A_28 = arith.constant 2 : i32
      %add3A_29 = vector.broadcast %add3A_28 : i32 to vector<16xi32>
      %add3A_30 = arith.addi %add3A_23, %add3A_29 : vector<16xi32>
      %gather3A_31 = tpu.vector_load_idx %arg11[%add3A_30] : memref<3072xf32, #tpu.memory_space<vmem>>[vector<16xi32>], vector<16xf32>,
      %add3A_32 = arith.constant 3 : i32
      %add3A_33 = vector.broadcast %add3A_32 : i32 to vector<16xi32>
      %add3A_34 = arith.addi %add3A_23, %add3A_33 : vector<16xi32>
      %gather3A_35 = tpu.vector_load_idx %arg11[%add3A_34] : memref<3072xf32, #tpu.memory_space<vmem>>[vector<16xi32>], vector<16xf32>,
      %add3A_36 = arith.constant 4 : i32
      %add3A_37 = vector.broadcast %add3A_36 : i32 to vector<16xi32>
      %add3A_38 = arith.addi %add3A_23, %add3A_37 : vector<16xi32>
      %gather3A_39 = tpu.vector_load_idx %arg11[%add3A_38] : memref<3072xf32, #tpu.memory_space<vmem>>[vector<16xi32>], vector<16xf32>,
      %add3A_40 = arith.constant 5 : i32
      %add3A_41 = vector.broadcast %add3A_40 : i32 to vector<16xi32>
      %add3A_42 = arith.addi %add3A_23, %add3A_41 : vector<16xi32>
      %gather3A_43 = tpu.vector_load_idx %arg11[%add3A_42] : memref<3072xf32, #tpu.memory_space<vmem>>[vector<16xi32>], vector<16xf32>,
      %abs3A = math.absf %gather3A : vector<16xf32>
      %gt3A = arith.constant 9.99999971E-10 : f32
      %gt3A_44 = vector.broadcast %gt3A : f32 to vector<16xf32>
      %gt3A_45 = arith.cmpf ogt, %abs3A, %gt3A_44 : vector<16xf32>
      %jit3A = arith.constant 9.99999971E-10 : f32
      %broadcast_in_dim3A = vector.broadcast %jit3A : f32 to vector<16xf32>
      %select_n3A = arith.select %gt3A_45, %gather3A, %broadcast_in_dim3A : vector<16xi1>, vector<16xf32>
      %div3A = arith.constant 1.000000e+00 : f32
      %div3A_46 = vector.broadcast %div3A : f32 to vector<16xf32>
      %div3A_47 = arith.divf %div3A_46, %select_n3A : vector<16xf32>
      %abs3A_48 = math.absf %gather3A_27 : vector<16xf32>
      %gt3A_49 = arith.constant 9.99999971E-10 : f32
      %gt3A_50 = vector.broadcast %gt3A_49 : f32 to vector<16xf32>
      %gt3A_51 = arith.cmpf ogt, %abs3A_48, %gt3A_50 : vector<16xf32>
      %jit3A_52 = arith.constant 9.99999971E-10 : f32
      %broadcast_in_dim3A_53 = vector.broadcast %jit3A_52 : f32 to vector<16xf32>
      %select_n3A_54 = arith.select %gt3A_51, %gather3A_27, %broadcast_in_dim3A_53 : vector<16xi1>, vector<16xf32>
      %div3A_55 = arith.constant 1.000000e+00 : f32
      %div3A_56 = vector.broadcast %div3A_55 : f32 to vector<16xf32>
      %div3A_57 = arith.divf %div3A_56, %select_n3A_54 : vector<16xf32>
      %abs3A_58 = math.absf %gather3A_31 : vector<16xf32>
      %gt3A_59 = arith.constant 9.99999971E-10 : f32
      %gt3A_60 = vector.broadcast %gt3A_59 : f32 to vector<16xf32>
      %gt3A_61 = arith.cmpf ogt, %abs3A_58, %gt3A_60 : vector<16xf32>
      %jit3A_62 = arith.constant 9.99999971E-10 : f32
      %broadcast_in_dim3A_63 = vector.broadcast %jit3A_62 : f32 to vector<16xf32>
      %select_n3A_64 = arith.select %gt3A_61, %gather3A_31, %broadcast_in_dim3A_63 : vector<16xi1>, vector<16xf32>
      %div3A_65 = arith.constant 1.000000e+00 : f32
      %div3A_66 = vector.broadcast %div3A_65 : f32 to vector<16xf32>
      %div3A_67 = arith.divf %div3A_66, %select_n3A_64 : vector<16xf32>
      %sub3A = arith.constant -1.000000e+00 : f32
      %sub3A_68 = vector.broadcast %sub3A : f32 to vector<16xf32>
      %sub3A_69 = arith.subf %sub3A_68, %gather3A_35 : vector<16xf32>
      %mul3A_70 = arith.mulf %sub3A_69, %div3A_47 : vector<16xf32>
      %sub3A_71 = arith.constant 1.000000e+00 : f32
      %sub3A_72 = vector.broadcast %sub3A_71 : f32 to vector<16xf32>
      %sub3A_73 = arith.subf %sub3A_72, %gather3A_35 : vector<16xf32>
      %mul3A_74 = arith.mulf %sub3A_73, %div3A_47 : vector<16xf32>
      %sub3A_75 = arith.constant -1.000000e+00 : f32
      %sub3A_76 = vector.broadcast %sub3A_75 : f32 to vector<16xf32>
      %sub3A_77 = arith.subf %sub3A_76, %gather3A_39 : vector<16xf32>
      %mul3A_78 = arith.mulf %sub3A_77, %div3A_57 : vector<16xf32>
      %sub3A_79 = arith.constant 1.000000e+00 : f32
      %sub3A_80 = vector.broadcast %sub3A_79 : f32 to vector<16xf32>
      %sub3A_81 = arith.subf %sub3A_80, %gather3A_39 : vector<16xf32>
      %mul3A_82 = arith.mulf %sub3A_81, %div3A_57 : vector<16xf32>
      %sub3A_83 = arith.constant -1.000000e+00 : f32
      %sub3A_84 = vector.broadcast %sub3A_83 : f32 to vector<16xf32>
      %sub3A_85 = arith.subf %sub3A_84, %gather3A_43 : vector<16xf32>
      %mul3A_86 = arith.mulf %sub3A_85, %div3A_67 : vector<16xf32>
      %sub3A_87 = arith.constant 1.000000e+00 : f32
      %sub3A_88 = vector.broadcast %sub3A_87 : f32 to vector<16xf32>
      %sub3A_89 = arith.subf %sub3A_88, %gather3A_43 : vector<16xf32>
      %mul3A_90 = arith.mulf %sub3A_89, %div3A_67 : vector<16xf32>
      %min3A = arith.minimumf %mul3A_70, %mul3A_74 : vector<16xf32>
      %min3A_91 = arith.minimumf %mul3A_78, %mul3A_82 : vector<16xf32>
      %max3A = arith.maximumf %min3A, %min3A_91 : vector<16xf32>
      %min3A_92 = arith.minimumf %mul3A_86, %mul3A_90 : vector<16xf32>
      %max3A_93 = arith.maximumf %max3A, %min3A_92 : vector<16xf32>
      %max3A_94 = arith.maximumf %mul3A_70, %mul3A_74 : vector<16xf32>
      %max3A_95 = arith.maximumf %mul3A_78, %mul3A_82 : vector<16xf32>
      %min3A_96 = arith.minimumf %max3A_94, %max3A_95 : vector<16xf32>
      %max3A_97 = arith.maximumf %mul3A_86, %mul3A_90 : vector<16xf32>
      %min3A_98 = arith.minimumf %min3A_96, %max3A_97 : vector<16xf32>
      %max3A_99 = arith.constant 2.000000e-01 : f32
      %max3A_100 = vector.broadcast %max3A_99 : f32 to vector<16xf32>
      %max3A_101 = arith.maximumf %max3A_93, %max3A_100 : vector<16xf32>
      %max3A_102 = arith.constant 0.000000e+00 : f32
      %max3A_103 = vector.broadcast %max3A_102 : f32 to vector<16xf32>
      %max3A_104 = arith.maximumf %max3A_93, %max3A_103 : vector<16xf32>
      %gt3A_105 = arith.cmpf ogt, %min3A_98, %max3A_104 : vector<16xf32>
      %max3A_106 = arith.maximumf %min3A_98, %max3A_101 : vector<16xf32>
      %select_n3A_107 = arith.select %gt3A_105, %max3A_106, %max3A_101 : vector<16xi1>, vector<16xf32>
      %scan3A_108 = arith.constant 0 : i32
      %scan3A_109 = arith.constant 0 : i32
      %scan3A_110 = arith.constant 128 : i32
      %scan3A_111 = arith.addi %scan3A_109, %scan3A_110 : i32
      %scan3A_112 = arith.constant 1 : i32
      scf.for %scan3A_123 = %scan3A_109 to %scan3A_111 step %scan3A_112  : i32 {
        %convert_element_type3A = arith.sitofp %scan3A_123 : i32 to f32
        %add3A_124 = arith.constant 5.000000e-01 : f32
        %add3A_125 = arith.addf %convert_element_type3A, %add3A_124 : f32
        %mul3A_126 = arith.constant 0.0270632934 : f32
        %mul3A_127 = arith.mulf %add3A_125, %mul3A_126 : f32
        %add3A_128 = vector.broadcast %mul3A_127 : f32 to vector<16xf32>
        %add3A_129 = arith.addf %max3A_101, %add3A_128 : vector<16xf32>
        %lt3A = arith.cmpf olt, %add3A_129, %select_n3A_107 : vector<16xf32>
        %mul3A_130 = arith.mulf %add3A_129, %gather3A : vector<16xf32>
        %add3A_131 = arith.addf %gather3A_35, %mul3A_130 : vector<16xf32>
        %mul3A_132 = arith.mulf %add3A_129, %gather3A_27 : vector<16xf32>
        %add3A_133 = arith.addf %gather3A_39, %mul3A_132 : vector<16xf32>
        %mul3A_134 = arith.mulf %add3A_129, %gather3A_31 : vector<16xf32>
        %add3A_135 = arith.addf %gather3A_43, %mul3A_134 : vector<16xf32>
        %jit3A_136 = arith.constant -1.000000e+00 : f32
        %jit3A_137 = arith.constant 1.000000e+00 : f32
        %max3A_138 = vector.broadcast %jit3A_136 : f32 to vector<16xf32>
        %max3A_139 = arith.maximumf %max3A_138, %add3A_131 : vector<16xf32>
        %min3A_140 = vector.broadcast %jit3A_137 : f32 to vector<16xf32>
        %min3A_141 = arith.minimumf %min3A_140, %max3A_139 : vector<16xf32>
        %mul3A_142 = arith.constant 5.000000e-01 : f32
        %mul3A_143 = vector.broadcast %mul3A_142 : f32 to vector<16xf32>
        %mul3A_144 = arith.mulf %min3A_141, %mul3A_143 : vector<16xf32>
        %add3A_145 = arith.constant 5.000000e-01 : f32
        %add3A_146 = vector.broadcast %add3A_145 : f32 to vector<16xf32>
        %add3A_147 = arith.addf %mul3A_144, %add3A_146 : vector<16xf32>
        %mul3A_148 = arith.constant 1.280000e+02 : f32
        %mul3A_149 = vector.broadcast %mul3A_148 : f32 to vector<16xf32>
        %mul3A_150 = arith.mulf %add3A_147, %mul3A_149 : vector<16xf32>
        %convert_element_type3A_151 = arith.fptosi %mul3A_150 : vector<16xf32> to vector<16xi32>
        %jit3A_152 = arith.constant 0 : i32
        %jit3A_153 = arith.constant 127 : i32
        %max3A_154 = vector.broadcast %jit3A_152 : i32 to vector<16xi32>
        %max3A_155 = arith.maxsi %max3A_154, %convert_element_type3A_151 : vector<16xi32>
        %min3A_156 = vector.broadcast %jit3A_153 : i32 to vector<16xi32>
        %min3A_157 = arith.minsi %min3A_156, %max3A_155 : vector<16xi32>
        %gather3A_158 = tpu.vector_load_idx %arg12[%min3A_157] : memref<128xi32, #tpu.memory_space<vmem>>[vector<16xi32>], vector<16xi32>,
        %jit3A_159 = arith.constant -1.000000e+00 : f32
        %jit3A_160 = arith.constant 1.000000e+00 : f32
        %max3A_161 = vector.broadcast %jit3A_159 : f32 to vector<16xf32>
        %max3A_162 = arith.maximumf %max3A_161, %add3A_133 : vector<16xf32>
        %min3A_163 = vector.broadcast %jit3A_160 : f32 to vector<16xf32>
        %min3A_164 = arith.minimumf %min3A_163, %max3A_162 : vector<16xf32>
        %mul3A_165 = arith.constant 5.000000e-01 : f32
        %mul3A_166 = vector.broadcast %mul3A_165 : f32 to vector<16xf32>
        %mul3A_167 = arith.mulf %min3A_164, %mul3A_166 : vector<16xf32>
        %add3A_168 = arith.constant 5.000000e-01 : f32
        %add3A_169 = vector.broadcast %add3A_168 : f32 to vector<16xf32>
        %add3A_170 = arith.addf %mul3A_167, %add3A_169 : vector<16xf32>
        %mul3A_171 = arith.constant 1.280000e+02 : f32
        %mul3A_172 = vector.broadcast %mul3A_171 : f32 to vector<16xf32>
        %mul3A_173 = arith.mulf %add3A_170, %mul3A_172 : vector<16xf32>
        %convert_element_type3A_174 = arith.fptosi %mul3A_173 : vector<16xf32> to vector<16xi32>
        %jit3A_175 = arith.constant 0 : i32
        %jit3A_176 = arith.constant 127 : i32
        %max3A_177 = vector.broadcast %jit3A_175 : i32 to vector<16xi32>
        %max3A_178 = arith.maxsi %max3A_177, %convert_element_type3A_174 : vector<16xi32>
        %min3A_179 = vector.broadcast %jit3A_176 : i32 to vector<16xi32>
        %min3A_180 = arith.minsi %min3A_179, %max3A_178 : vector<16xi32>
        %gather3A_181 = tpu.vector_load_idx %arg13[%min3A_180] : memref<128xi32, #tpu.memory_space<vmem>>[vector<16xi32>], vector<16xi32>,
        %or3A = arith.ori %gather3A_158, %gather3A_181 : vector<16xi32>
        %jit3A_182 = arith.constant -1.000000e+00 : f32
        %jit3A_183 = arith.constant 1.000000e+00 : f32
        %max3A_184 = vector.broadcast %jit3A_182 : f32 to vector<16xf32>
        %max3A_185 = arith.maximumf %max3A_184, %add3A_135 : vector<16xf32>
        %min3A_186 = vector.broadcast %jit3A_183 : f32 to vector<16xf32>
        %min3A_187 = arith.minimumf %min3A_186, %max3A_185 : vector<16xf32>
        %mul3A_188 = arith.constant 5.000000e-01 : f32
        %mul3A_189 = vector.broadcast %mul3A_188 : f32 to vector<16xf32>
        %mul3A_190 = arith.mulf %min3A_187, %mul3A_189 : vector<16xf32>
        %add3A_191 = arith.constant 5.000000e-01 : f32
        %add3A_192 = vector.broadcast %add3A_191 : f32 to vector<16xf32>
        %add3A_193 = arith.addf %mul3A_190, %add3A_192 : vector<16xf32>
        %mul3A_194 = arith.constant 1.280000e+02 : f32
        %mul3A_195 = vector.broadcast %mul3A_194 : f32 to vector<16xf32>
        %mul3A_196 = arith.mulf %add3A_193, %mul3A_195 : vector<16xf32>
        %convert_element_type3A_197 = arith.fptosi %mul3A_196 : vector<16xf32> to vector<16xi32>
        %jit3A_198 = arith.constant 0 : i32
        %jit3A_199 = arith.constant 127 : i32
        %max3A_200 = vector.broadcast %jit3A_198 : i32 to vector<16xi32>
        %max3A_201 = arith.maxsi %max3A_200, %convert_element_type3A_197 : vector<16xi32>
        %min3A_202 = vector.broadcast %jit3A_199 : i32 to vector<16xi32>
        %min3A_203 = arith.minsi %min3A_202, %max3A_201 : vector<16xi32>
        %gather3A_204 = tpu.vector_load_idx %arg14[%min3A_203] : memref<128xi32, #tpu.memory_space<vmem>>[vector<16xi32>], vector<16xi32>,
        %or3A_205 = arith.ori %or3A, %gather3A_204 : vector<16xi32>
        %shift_right_arithmetic3A = arith.constant 5 : i32
        %shift_right_arithmetic3A_206 = vector.broadcast %shift_right_arithmetic3A : i32 to vector<16xi32>
        %shift_right_arithmetic3A_207 = arith.shrsi %or3A_205, %shift_right_arithmetic3A_206 : vector<16xi32>
        %gather3A_208 = tpu.vector_load_idx %arg10[%shift_right_arithmetic3A_207] : memref<65536xi32, #tpu.memory_space<vmem>>[vector<16xi32>], vector<16xi32>,
        %and3A = arith.constant 31 : i32
        %and3A_209 = vector.broadcast %and3A : i32 to vector<16xi32>
        %and3A_210 = arith.andi %or3A_205, %and3A_209 : vector<16xi32>
        %shift_right_logical3A = arith.shrui %gather3A_208, %and3A_210 : vector<16xi32>
        %and3A_211 = arith.constant 1 : i32
        %and3A_212 = vector.broadcast %and3A_211 : i32 to vector<16xi32>
        %and3A_213 = arith.andi %shift_right_logical3A, %and3A_212 : vector<16xi32>
        %ne3A = arith.constant 0 : i32
        %ne3A_214 = vector.broadcast %ne3A : i32 to vector<16xi32>
        %ne3A_215 = arith.cmpi ne, %and3A_213, %ne3A_214 : vector<16xi32>
        %and3A_216 = arith.andi %lt3A, %ne3A_215 : vector<16xi1>
        %mul3A_217 = arith.constant 3 : i32
        %mul3A_218 = arith.muli %scan3A_123, %mul3A_217 : i32
        %add3A_219 = vector.broadcast %mul3A_218 : i32 to vector<16xi32>
        %add3A_220 = arith.addi %mul3A_13, %add3A_219 : vector<16xi32>
        %jit3A_221 = arith.constant 0.000000e+00 : f32
        %broadcast_in_dim3A_222 = vector.broadcast %jit3A_221 : f32 to vector<16xf32>
        %select_n3A_223 = arith.select %and3A_216, %add3A_131, %broadcast_in_dim3A_222 : vector<16xi1>, vector<16xf32>
        tpu.vector_store_idx %arg15[%add3A_220], %select_n3A_223 : memref<6144xf32, #tpu.memory_space<vmem>>[vector<16xi32>], vector<16xf32>,
        %add3A_224 = arith.constant 1 : i32
        %add3A_225 = vector.broadcast %add3A_224 : i32 to vector<16xi32>
        %add3A_226 = arith.addi %add3A_220, %add3A_225 : vector<16xi32>
        %jit3A_227 = arith.constant 0.000000e+00 : f32
        %broadcast_in_dim3A_228 = vector.broadcast %jit3A_227 : f32 to vector<16xf32>
        %select_n3A_229 = arith.select %and3A_216, %add3A_133, %broadcast_in_dim3A_228 : vector<16xi1>, vector<16xf32>
        tpu.vector_store_idx %arg15[%add3A_226], %select_n3A_229 : memref<6144xf32, #tpu.memory_space<vmem>>[vector<16xi32>], vector<16xf32>,
        %add3A_230 = arith.constant 2 : i32
        %add3A_231 = vector.broadcast %add3A_230 : i32 to vector<16xi32>
        %add3A_232 = arith.addi %add3A_220, %add3A_231 : vector<16xi32>
        %jit3A_233 = arith.constant 0.000000e+00 : f32
        %broadcast_in_dim3A_234 = vector.broadcast %jit3A_233 : f32 to vector<16xf32>
        %select_n3A_235 = arith.select %and3A_216, %add3A_135, %broadcast_in_dim3A_234 : vector<16xi1>, vector<16xf32>
        tpu.vector_store_idx %arg15[%add3A_232], %select_n3A_235 : memref<6144xf32, #tpu.memory_space<vmem>>[vector<16xi32>], vector<16xf32>,
        %add3A_236 = vector.broadcast %scan3A_123 : i32 to vector<16xi32>
        %add3A_237 = arith.addi %mul3A_10, %add3A_236 : vector<16xi32>
        %jit3A_238 = arith.constant 0.000000e+00 : f32
        %broadcast_in_dim3A_239 = vector.broadcast %jit3A_238 : f32 to vector<16xf32>
        %select_n3A_240 = arith.select %and3A_216, %add3A_129, %broadcast_in_dim3A_239 : vector<16xi1>, vector<16xf32>
        tpu.vector_store_idx %arg16[%add3A_237], %select_n3A_240 : memref<2048xf32, #tpu.memory_space<vmem>>[vector<16xi32>], vector<16xf32>,
        %convert_element_type3A_241 = arith.extui %and3A_216 : vector<16xi1> to vector<16xi32>
        tpu.vector_store_idx %arg17[%add3A_237], %convert_element_type3A_241 : memref<2048xi32, #tpu.memory_space<vmem>>[vector<16xi32>], vector<16xi32>,
      }
      %scan3A_113 = arith.constant 128 : i32
      %mul3A_114 = arith.constant 16 : i32
      %mul3A_115 = arith.muli %scan3A_19, %mul3A_114 : i32
      %add3A_116 = arith.addi %mul3A_2, %mul3A_115 : i32
      %mul3A_117 = arith.constant 384 : i32
      %mul3A_118 = arith.muli %add3A_116, %mul3A_117 : i32
      "tpu.region"() ({
        %run_scoped3A = tpu.sem_alloc : memref<!tpu.dma_semaphore, #tpu.memory_space<semaphore_mem>>
        %dma_start3A = tpu.memref_slice %arg7[%mul3A_118] : memref<6291456xf32, #tpu.memory_space<hbm>> -> memref<6144xf32, #tpu.memory_space<hbm>>
        %dma_start3A_123 = tpu.memref_slice %arg7[%mul3A_118] : memref<6291456xf32, #tpu.memory_space<hbm>> -> memref<6144xf32, #tpu.memory_space<hbm>>
        tpu.enqueue_dma source(%arg15 : memref<6144xf32, #tpu.memory_space<vmem>>) target(%dma_start3A_123 : memref<6144xf32, #tpu.memory_space<hbm>>) target_semaphore(%run_scoped3A : memref<!tpu.dma_semaphore, #tpu.memory_space<semaphore_mem>>)
        %dma_wait3A = tpu.memref_slice %arg7[%mul3A_118] : memref<6291456xf32, #tpu.memory_space<hbm>> -> memref<6144xf32, #tpu.memory_space<hbm>>
        %dma_wait3A_124 = tpu.memref_slice %arg7[%mul3A_118] : memref<6291456xf32, #tpu.memory_space<hbm>> -> memref<6144xf32, #tpu.memory_space<hbm>>
        tpu.wait_dma2 semaphore(%run_scoped3A : memref<!tpu.dma_semaphore, #tpu.memory_space<semaphore_mem>>) src(%arg15 : memref<6144xf32, #tpu.memory_space<vmem>>) dst(%dma_wait3A_124 : memref<6144xf32, #tpu.memory_space<hbm>>)
        tpu.yield
      }) : () -> ()
      %mul3A_119 = arith.constant 128 : i32
      %mul3A_120 = arith.muli %add3A_116, %mul3A_119 : i32
      "tpu.region"() ({
        %run_scoped3A = tpu.sem_alloc : memref<!tpu.dma_semaphore, #tpu.memory_space<semaphore_mem>>
        %dma_start3A = tpu.memref_slice %arg8[%mul3A_120] : memref<2097152xf32, #tpu.memory_space<hbm>> -> memref<2048xf32, #tpu.memory_space<hbm>>
        %dma_start3A_123 = tpu.memref_slice %arg8[%mul3A_120] : memref<2097152xf32, #tpu.memory_space<hbm>> -> memref<2048xf32, #tpu.memory_space<hbm>>
        tpu.enqueue_dma source(%arg16 : memref<2048xf32, #tpu.memory_space<vmem>>) target(%dma_start3A_123 : memref<2048xf32, #tpu.memory_space<hbm>>) target_semaphore(%run_scoped3A : memref<!tpu.dma_semaphore, #tpu.memory_space<semaphore_mem>>)
        %dma_wait3A = tpu.memref_slice %arg8[%mul3A_120] : memref<2097152xf32, #tpu.memory_space<hbm>> -> memref<2048xf32, #tpu.memory_space<hbm>>
        %dma_wait3A_124 = tpu.memref_slice %arg8[%mul3A_120] : memref<2097152xf32, #tpu.memory_space<hbm>> -> memref<2048xf32, #tpu.memory_space<hbm>>
        tpu.wait_dma2 semaphore(%run_scoped3A : memref<!tpu.dma_semaphore, #tpu.memory_space<semaphore_mem>>) src(%arg16 : memref<2048xf32, #tpu.memory_space<vmem>>) dst(%dma_wait3A_124 : memref<2048xf32, #tpu.memory_space<hbm>>)
        tpu.yield
      }) : () -> ()
      %mul3A_121 = arith.constant 128 : i32
      %mul3A_122 = arith.muli %add3A_116, %mul3A_121 : i32
      "tpu.region"() ({
        %run_scoped3A = tpu.sem_alloc : memref<!tpu.dma_semaphore, #tpu.memory_space<semaphore_mem>>
        %dma_start3A = tpu.memref_slice %arg9[%mul3A_122] : memref<2097152xi32, #tpu.memory_space<hbm>> -> memref<2048xi32, #tpu.memory_space<hbm>>
        %dma_start3A_123 = tpu.memref_slice %arg9[%mul3A_122] : memref<2097152xi32, #tpu.memory_space<hbm>> -> memref<2048xi32, #tpu.memory_space<hbm>>
        tpu.enqueue_dma source(%arg17 : memref<2048xi32, #tpu.memory_space<vmem>>) target(%dma_start3A_123 : memref<2048xi32, #tpu.memory_space<hbm>>) target_semaphore(%run_scoped3A : memref<!tpu.dma_semaphore, #tpu.memory_space<semaphore_mem>>)
        %dma_wait3A = tpu.memref_slice %arg9[%mul3A_122] : memref<2097152xi32, #tpu.memory_space<hbm>> -> memref<2048xi32, #tpu.memory_space<hbm>>
        %dma_wait3A_124 = tpu.memref_slice %arg9[%mul3A_122] : memref<2097152xi32, #tpu.memory_space<hbm>> -> memref<2048xi32, #tpu.memory_space<hbm>>
        tpu.wait_dma2 semaphore(%run_scoped3A : memref<!tpu.dma_semaphore, #tpu.memory_space<semaphore_mem>>) src(%arg17 : memref<2048xi32, #tpu.memory_space<vmem>>) dst(%dma_wait3A_124 : memref<2048xi32, #tpu.memory_space<hbm>>)
        tpu.yield
      }) : () -> ()
    }
    %scan3A_18 = arith.constant 32 : i32
    return
  }
}

</mosaic_0001>

<sc_bundles>
// kernel: kernel.4.cloned.1.call-start
scs
__scs_entry_jumppad:
0x0: {  	(pc) =	sbr.rel $0x88, $3  }
0x1: {  	(tag) =	ssettag $0x0;
	lr =	simm.s32 $0x1  }
0x2: {  	[smem:$0x3F9F] =	sst lr;
	_ =	strace $0xD0000000  }
0x3: {  	_ = 	snop  }
0x4: {  	_ = 	snop  }
0x5: {  	_ = 	snop  }
0x6: {  	_ = 	snop  }
0x7: {  	_ = 	snop  }
__scs_overlays_trampoline_lowered:
0x8: {  	[smem:$0x3FAE] =	sst s0  }
0x9: {  	[smem:$0x3FAF] =	sst s1  }
0xa: {  	[smem:$0x3FB0] =	sst s2  }
0xb: {  	[smem:$0x3FB1] =	sst s3  }
0xc: {  	[smem:$0x3FB2] =	sst s4  }
0xd: {  	[smem:$0x3FB3] =	sst s5  }
0xe: {  	[smem:$0x3FB4] =	sst s6  }
0xf: {  	[smem:$0x3FB5] =	sst s7  }
0x10: {  	[smem:$0x3FB6] =	sst s8  }
0x11: {  	[smem:$0x3FB7] =	sst s9;
	s0 =	simm.s32 @!p0 $0x0  }
0x12: {  	s1 =	sld [smem:$0x3F9D];
	s0 =	simm.s32 @p0 $0x1  }
0x13: {  	[smem:$0x3FB8] =	sst s0;
	s0 =	simm.s32 @!p1 $0x0  }
0x14: {  	s2 =	sld [smem:$0x3F9C];
	s0 =	simm.s32 @p1 $0x1  }
0x15: {  	[smem:$0x3FB9] =	sst s0;
	s0 =	simm.s32 @!p2 $0x0  }
0x16: {  	s3 =	sld [smem:$0x3FDB];
	s0 =	simm.s32 @p2 $0x1  }
0x17: {  	s4 =	simm.s32 $0x1BF5;
	[smem:$0x3FBB] =	sst s0  }
0x18: {  	s0 =	sld [smem:$0x3F9E];
	_ =	swait.ge [sflag:s4], $0x0  }
0x19: {  	s7 =	sld [smem:$0x3F9F]  }
0x1a: {  	s8 =	sadd.s32 $0xFFFFE003, lr  }
0x1b: {  	s9 =	sadd.s32 $0xFFFFFEF7, lr;
	s5 =	simm.s32 $0xFFFFFFFF;
	p2 =	slt.u32 s8, $0xFFFFF086  }
0x1c: {  	p1 =	slt.u32 s9, $0xF7A;
	s5 =	simm.s32 @!p2 $0x0  }
0x1d: {  	s5 =	simm.s32 @p1 $0x1;
	p0 =	seq.s32 s7, s2  }
0x1e: {  	s7 =	smul.u32 @!p0 $0xF7A, s2;
	p2 =	seq.s32 @!p0 s5, $0x0  }
0x1f: {  	s9 =	smul.u32 $0xF7A, s1;
	s8 =	simm.s32 @!p0 $0x1BF5;
	p2 =	por !p2, p0  }
0x20: {  	[sflag:s8] =	ssyncset.s32 @!p0 $0xFFFFF086;
	s6 =	sadd.s32 @!p0 s3, s7;
	s7 =	simm.s32 @!p0 $0x108  }
0x21: {  	s3 =	sadd.s32 s3, s9;
	s6 =	sadd.s32 @!p0 $0x88, s6;
	s7 =	simm.s32 @p2 $0x1082  }
0x22: {  	[simem:s7], [sflag:s8] =	dma.local @!p0 [hbm:s6], $0xF7A  }
0x23: {  	s9 =	sor.u32 $0xD0000000, s2;
	s6 =	simm.s32 $0x108;
	_ =	swait.ge @!p0 [sflag:s8], $0x0  }
0x24: {  	s3 =	sadd.s32 $0x88, s3;
	s6 =	simm.s32 @!p1 $0x1082;
	[sflag:s4] =	ssyncset.s32 $0xFFFFF086  }
0x25: {  	[simem:s6], [sflag:s4] =	dma.local [hbm:s3], $0xF7A  }
0x26: {  	[smem:$0x3F9F] =	sst s1;
	(tag) =	ssettag s2;
	_ =	strace s9  }
0x27: {  	s1 =	sld [smem:$0x3FAF]  }
0x28: {  	s2 =	sld [smem:$0x3FB0]  }
0x29: {  	s4 =	sld [smem:$0x3FB2]  }
0x2a: {  	p0 =	seq.s32 s5, $0x0;
	s5 =	sld [smem:$0x3FB3]  }
0x2b: {  	s6 =	sld [smem:$0x3FB4]  }
0x2c: {  	s7 =	sld [smem:$0x3FB5]  }
0x2d: {  	s3 =	simm.s32 $0x108;
	s8 =	sld [smem:$0x3FB6]  }
0x2e: {  	s3 =	simm.s32 @!p0 $0x1082;
	s9 =	sld [smem:$0x3FB7]  }
0x2f: {  	lr =	sadd.s32 s0, s3;
	s0 =	sld [smem:$0x3FAE]  }
0x30: {  	s3 =	sld [smem:$0x3FB1]  }
0x31: {  	[smem:$0x3FBA] =	sst s10  }
0x32: {  	s10 =	sld [smem:$0x3FB8];
	_ =	sdelay $0x3  }
0x33: {  	p0 =	seq.s32 s10, $0x1;
	s10 =	sld [smem:$0x3FBA];
	_ =	sdelay $0x3  }
0x34: {  	[smem:$0x3FBA] =	sst s10  }
0x35: {  	s10 =	sld [smem:$0x3FB9];
	_ =	sdelay $0x3  }
0x36: {  	p1 =	seq.s32 s10, $0x1;
	s10 =	sld [smem:$0x3FBA];
	_ =	sdelay $0x3  }
0x37: {  	[smem:$0x3FBA] =	sst s10  }
0x38: {  	s10 =	sld [smem:$0x3FBB]  }
0x39: {  	_ = 	snop;
	(pc) =	sbr.ind lr, $3  }
0x3a: {  	_ = 	snop  }
0x3b: {  	_ = 	snop  }
0x3c: {  	p2 =	seq.s32 s10, $0x1;
	s10 =	sld [smem:$0x3FBA]  }
0x3d: {  	_ =	shalt  }
0x3e: {  	_ =	shalt  }
0x3f: {  	_ =	shalt  }
0x40: {  	_ =	shalt  }
0x41: {  	_ =	shalt  }
0x42: {  	_ =	shalt  }
0x43: {  	_ =	shalt  }
0x44: {  	_ =	shalt  }
0x45: {  	_ =	shalt  }
0x46: {  	_ =	shalt  }
0x47: {  	_ =	shalt  }
0x48: {  	_ =	shalt  }
0x49: {  	_ =	shalt  }
0x4a: {  	_ =	shalt  }
0x4b: {  	_ =	shalt  }
0x4c: {  	_ =	shalt  }
0x4d: {  	_ =	shalt  }
0x4e: {  	_ =	shalt  }
0x4f: {  	_ =	shalt  }
0x50: {  	_ =	shalt  }
0x51: {  	_ =	shalt  }
0x52: {  	_ =	shalt  }
0x53: {  	_ =	shalt  }
0x54: {  	_ =	shalt  }
0x55: {  	_ =	shalt  }
0x56: {  	_ =	shalt  }
0x57: {  	_ =	shalt  }
0x58: {  	_ =	shalt  }
0x59: {  	_ =	shalt  }
0x5a: {  	_ =	shalt  }
0x5b: {  	_ =	shalt  }
0x5c: {  	_ =	shalt  }
0x5d: {  	_ =	shalt  }
0x5e: {  	_ =	shalt  }
0x5f: {  	_ =	shalt  }
0x60: {  	_ =	shalt  }
0x61: {  	_ =	shalt  }
0x62: {  	_ =	shalt  }
0x63: {  	_ =	shalt  }
0x64: {  	_ =	shalt  }
0x65: {  	_ =	shalt  }
0x66: {  	_ =	shalt  }
0x67: {  	_ =	shalt  }
0x68: {  	_ =	shalt  }
0x69: {  	_ =	shalt  }
0x6a: {  	_ =	shalt  }
0x6b: {  	_ =	shalt  }
0x6c: {  	_ =	shalt  }
0x6d: {  	_ =	shalt  }
0x6e: {  	_ =	shalt  }
0x6f: {  	_ =	shalt  }
0x70: {  	_ =	shalt  }
0x71: {  	_ =	shalt  }
0x72: {  	_ =	shalt  }
0x73: {  	_ =	shalt  }
0x74: {  	_ =	shalt  }
0x75: {  	_ =	shalt  }
0x76: {  	_ =	shalt  }
0x77: {  	_ =	shalt  }
0x78: {  	_ =	shalt  }
0x79: {  	_ =	shalt  }
0x7a: {  	_ =	shalt  }
0x7b: {  	_ =	shalt  }
0x7c: {  	_ =	shalt  }
0x7d: {  	_ =	shalt  }
0x7e: {  	_ =	shalt  }
0x7f: {  	_ =	shalt  }
0x80: {  	_ =	shalt  }
0x81: {  	_ =	shalt  }
0x82: {  	_ =	shalt  }
0x83: {  	_ =	shalt  }
0x84: {  	_ =	shalt  }
0x85: {  	_ =	shalt  }
0x86: {  	_ =	shalt  }
0x87: {  	_ =	shalt  }
.Lfunc_end0:
.L_simem_size_0:
called_computation_lowered:
.L_overlay_start_0:
0x88: {  	s2 =	sld [smem:$0x3FD9]  }
0x89: {  	s3 =	sld [smem:$0x3FFE];
	_ =	sdelay $0x1  }
0x8a: {  	s1 =	srdreg.scid  }
0x8b: {  	s0 =	sand.u32 $0x1, s1  }
0x8c: {  	s17 =	sshll.u32 s0, $0xA;
	s2 =	sadd.s32 s3, s2  }
0x8d: {  	s2 =	sadd.s32 s2, s17  }
0x8e: {  	[smem:$0x3FC6] =	sst s2  }
0x8f: {  	_ = 	snop  }
0x90: {  	s2 =	sld [smem:$0x3FC8];
	(tm) =	ssettm $0x1  }
0x91: {  	s18 =	sld [smem:$0x3FFB];
	_ =	sdelay $0x3  }
0x92: {  	_ =	strace s18  }
0x93: {  	s3 =	sld [smem:$0x3FFC];
	_ =	sdelay $0x3  }
0x94: {  	_ =	strace s3  }
0x95: {  	s3 =	sld [smem:$0x3FFD];
	_ =	sdelay $0x3  }
0x96: {  	_ =	strace s3  }
0x97: {  	_ =	strace $0x8FFFFFFF  }
0x98: {  	s19 =	sld [smem:$0x3FDB];
	_ =	sdelay $0x1  }
0x99: {  	s4 =	simm.s32 $_scs_section_size  }
0x9a: {  	s5 =	simm.s32 $_size__tile_overlayer_lowered;
	s6 =	simm.s32 $_tile_overlayer_lowered  }
0x9b: {  	s22 =	simm.s32 $0x1BFF;
	s21 =	sshll.u32 s6, $0x1;
	s3 =	sadd.s32 s4, s19  }
0x9c: {  	s7 =	simm.s32 $0x0;
	s20 =	sshll.u32 s5, $0x1;
	s5 =	sadd.s32 s21, s3  }
0x9d: {  	[timem:s7], [sflag:s22] =	dma.local [hbm:s5], s20  }
0x9e: {  	_ =	swait.ge [sflag:s22], s20  }
0x9f: {  	s4 =	ssub.s32 $0x0, s20;
	[sflag:s22] =	ssyncset.done $0x0  }
0xa0: {  	[sflag:s22] =	ssyncadd.s32 s4;
	_ =	sdelay $0x1  }
0xa1: {  	s23 =	simm.s32 $0x1B8B  }
0xa2: {  	_ =	swait.ge [sflag:s23], $0x1  }
0xa3: {  	[sflag:s23] =	ssyncset.done $0x0  }
0xa4: {  	s25 =	simm.s32 $0x1B8E;
	s24 =	sld [smem:$0x3FFE];
	[sflag:s23] =	ssyncadd.s32 $0xFFFFFFFF  }
0xa5: {  	s26 =	simm.s32 $execute0_lowered;
	[smem:$0x3FD2] =	sst s25  }
0xa6: {  	s5 =	sshll.u32 s26, $0x1;
	_ =	strace $0x80000046;
	[dreg:$0x1] =	wrdreg $0xFFFFFFFF  }
0xa7: {  	s28 =	simm.s32 $_size_execute0_lowered;
	s3 =	sadd.s32 s3, s5;
	[dreg:$0x0] =	wrdreg $0x0  }
0xa8: {  	s5 =	sshll.u32 s28, $0x1;
	[dreg:$0x2] =	wrdreg s3  }
0xa9: {  	[dreg:$0x3] =	wrdreg s5  }
0xaa: {  	[dreg:$0x4] =	wrdreg $0xC0  }
0xab: {  	_ =	task [dreg:s7], $0x5FFFF  }
0xac: {  	[dreg:$0x1] =	wrdreg $0xFFFFFFFF  }
0xad: {  	[dreg:$0x0] =	wrdreg $0x60  }
0xae: {  	[dreg:$0x2] =	wrdreg s2  }
0xaf: {  	[dreg:$0x3] =	wrdreg s24  }
0xb0: {  	[dreg:$0x4] =	wrdreg $0x9  }
0xb1: {  	_ =	task.clear_ibuf [dreg:s7], $0x5FFFF;
	_ =	strace $0x90000046  }
0xb2: {  	s29 =	simm.s32 $0x9;
	_ =	strace $0x80000048  }
0xb3: {  	_ =	swait.ge [sflag:s29], $0x1  }
0xb4: {  	[sflag:s29] =	ssyncadd.s32 $0xFFFFFFFF  }
0xb5: {  	_ =	strace $0x90000048  }
0xb6: {  	_ =	sfence  }
0xb7: {  	s30 =	sld [smem:$0x0];
	_ =	sdelay $0x2  }
0xb8: {  	s31 =	sshll.u32 s1, $0xD;
	s1 =	sshrl.u32 s1, $0x2  }
0xb9: {  	s3 =	sand.u32 $0x4000, s31;
	s1 =	sadd.s32 s1, s30  }
0xba: {  	s0 =	sor.u32 s3, s0;
	s1 =	sshll.u32 s1, $0x11  }
0xbb: {  	s0 =	sor.u32 s1, s0  }
0xbc: {  	s0 =	sadd.s32 $0x8F2B, s0  }
0xbd: {  	[sflag:s0] =	ssyncadd.remote.s32 $0x1  }
0xbe: {  	_ =	sfence.sel $0xFFFF  }
0xbf: {  	[dreg:$0x0] =	wrdreg $0xFFFFFFFF;
	(pc) =	sbr.abs _section_cstart, $3  }
0xc0: {  	[dreg:$0x1] =	wrdreg $0xFFFFFFFF  }
0xc1: {  	_ =	task.clear_ibuf [dreg:s7], $0x2FFFF;
	_ =	strace $0x9FFFFFFF  }
0xc2: {  	(tm) =	ssettm $0x7FFFFFFF  }
0xc3: {  	_ =	shalt  }
tec
execute0_lowered:
.L_overlay_start_1:
0x0: {  	(tag) =	ssettag $0x1  }
0x1: {  	v0 =	vlaneseq.u32  }
0x2: {  	v2 =	vmul.u32 $0x20, v0;
	_ =	sdelay $0x1  }
0x3: {  	v1 =	vimm.s32 $0x0;
	v3 =	vor.u32 $0x1, v2  }
0x4: {  	s3 =	rddreg [dreg:$0x0];
	v0 =	vor.u32 $0x2, v2;
	v4 =	vor.u32 $0x3, v2;
	v5 =	vor.u32 $0x4, v2  }
0x5: {  	s4 =	rddreg [dreg:$0x1];
	v6 =	vor.u32 $0x5, v2;
	v7 =	vor.u32 $0x6, v2;
	v8 =	vor.u32 $0x7, v2  }
0x6: {  	s0 =	rddreg [dreg:$0x2];
	v9 =	vor.u32 $0x8, v2;
	v10 =	vor.u32 $0x9, v2;
	v11 =	vor.u32 $0xA, v2  }
0x7: {  	s5 =	srdreg.scid;
	s1 =	stileid.u32;
	v12 =	vor.u32 $0xB, v2;
	v13 =	vor.u32 $0xC, v2;
	v14 =	vor.u32 $0xD, v2  }
0x8: {  	s2 =	simm.s32 $0x0;
	s5 =	sand.u32 $0x1, s5;
	s6 =	sshll.u32 s1, $0x1;
	v15 =	vor.u32 $0xE, v2;
	v16 =	vor.u32 $0xF, v2;
	v17 =	vor.u32 $0x10, v2  }
0x9: {  	[smem:$0x7FF] =	sst s2;
	s6 =	sor.u32 s5, s6;
	s5 =	ssub.s32 $0x2, s5;
	v18 =	vor.u32 $0x11, v2;
	v19 =	vor.u32 $0x12, v2;
	v20 =	vor.u32 $0x13, v2  }
0xa: {  	s7 =	sshll.u32 s6, $0x8;
	s8 =	sshrl.u32 s5, $0x1;
	v21 =	vor.u32 $0x14, v2;
	v22 =	vor.u32 $0x15, v2;
	v23 =	vor.u32 $0x16, v2;
	s6 =	sshll.u32 s6, $0xD  }
0xb: {  	v24 =	vor.u32 $0x17, v2;
	v25 =	vor.u32 $0x18, v2;
	v26 =	vor.u32 $0x19, v2;
	s4 =	sadd.s32 s7, s4;
	s5 =	ssub.s32 s5, s8;
	s3 =	sadd.s32 s3, s6  }
0xc: {  	v27 =	vor.u32 $0x1A, v2;
	v28 =	vor.u32 $0x1B, v2;
	v29 =	vor.u32 $0x1C, v2;
	[tilespmem:$0x1FFF0] =	vst v0;
	s6 =	simm.s32 $0x1;
	s7 =	simm.s32 $0x10000;
	s8 =	simm.s32 $0x0  }
0xd: {  	v30 =	vor.u32 $0x1D, v2;
	v31 =	vor.u32 $0x1E, v2;
	v32 =	vor.u32 $0x1F, v2;
	_ =	strace $0x80000047;
	s4 =	sadd.s32 $0x1400, s4;
	s5 =	smax.u32 s5, $0x1  }
.LBB2_1:
0xe: {  	v33 =	vor.u32 s2, v2  }
0xf: {  	[tilespmem:s2], [sflag:$0x1] =	stream.linear.gather [hbm4b:s3+s2], $0x10000, $0x38;
	v34 =	vor.u32 s2, v3;
	[tilespmem:$0x10800] =	vst v63  }
0x10: {  	v36 =	vor.u32 s2, v4;
	_ =	swait.ge [sflag:s6], $0x10000  }
0x11: {  	v37 =	vor.u32 s2, v5;
	[sflag:s6] =	ssyncset.done $0x0  }
0x12: {  	v38 =	vor.u32 s2, v6;
	v0 =	vld [tilespmem:$0x1FFF0];
	[sflag:s6] =	ssyncadd.s32 $0xFFFF0000  }
0x13: {  	v39 =	vor.u32 s2, v7;
	v33 =	vld.idx.msk [tilespmem:v33+s2+$0x0], $0xffff  }
0x14: {  	v40 =	vor.u32 s2, v8;
	v34 =	vld.idx.msk [tilespmem:v34+s2+$0x0], $0xffff  }
0x15: {  	v43 =	vor.u32 s2, v9;
	v36 =	vld.idx.msk [tilespmem:v36+s2+$0x0], $0xffff  }
0x16: {  	v37 =	vld.idx.msk [tilespmem:v37+s2+$0x0], $0xffff  }
0x17: {  	v60 =	vld.idx.msk [tilespmem:v38+s2+$0x0], $0xffff  }
0x18: {  	v39 =	vld.idx.msk [tilespmem:v39+s2+$0x0], $0xffff;
	v35 =	vor.u32 s2, v0  }
0x19: {  	v59 =	vor.u32 s2, v10;
	v40 =	vld.idx.msk [tilespmem:v40+s2+$0x0], $0xffff  }
0x1a: {  	v41 =	vor.u32 s2, v28;
	v42 =	vor.u32 s2, v24;
	v51 =	vor.u32 s2, v14;
	v43 =	vld.idx.msk [tilespmem:v43+s2+$0x0], $0xffff  }
0x1b: {  	v62 =	vor.u32 s2, v11;
	v63 =	vor.u32 s2, v12;
	v57 =	vor.u32 s2, v17  }
0x1c: {  	v49 =	vor.u32 s2, v13;
	v52 =	vor.u32 s2, v15;
	v55 =	vor.u32 s2, v16  }
0x1d: {  	v58 =	vor.u32 s2, v18;
	vm0 =	vgt.f32 v33, $9.999999770e-03;
	vm1 =	vgt.f32 v34, $9.999999770e-03;
	v35 =	vld.idx.msk [tilespmem:v35+s2+$0x0], $0xffff  }
0x1e: {  	vm11 =	vgt.f32 v36, $9.999999770e-03;
	vm12 =	vgt.f32 v37, $9.999999770e-03;
	vm13 =	vgt.f32 v60, $9.999999770e-03;
	v33 =	vld.idx.msk [tilespmem:v59+s2+$0x0], $0xffff  }
0x1f: {  	vm14 =	vgt.f32 v39, $9.999999770e-03;
	vm15 =	vgt.f32 v40, $9.999999770e-03;
	vm4 =	vgt.f32 v43, $9.999999770e-03;
	v34 =	vld.idx.msk [tilespmem:v51+s2+$0x0], $0xffff  }
0x20: {  	v43 =	vld.idx.msk [tilespmem:v57+s2+$0x0], $0xffff;
	v51 =	vor.u32 s2, v22;
	v57 =	vor.u32 s2, v26;
	v61 =	vsel vm0, $0x1, v1  }
0x21: {  	v37 =	vld.idx.msk [tilespmem:v49+s2+$0x0], $0xffff;
	v44 =	vsel vm1, $0x2, v1;
	v48 =	vsel vm11, $0x8, v1;
	v50 =	vsel vm12, $0x10, v1  }
0x22: {  	v40 =	vld.idx.msk [tilespmem:v55+s2+$0x0], $0xffff;
	v53 =	vsel vm13, $0x20, v1;
	v54 =	vsel vm14, $0x40, v1;
	vm10 =	vgt.f32 v35, $9.999999770e-03  }
0x23: {  	v39 =	vld.idx.msk [tilespmem:v58+s2+$0x0], $0xffff;
	v56 =	vsel vm15, $0x80, v1;
	v38 =	vor.u32 v61, v44;
	v47 =	vsel vm10, $0x4, v1  }
0x24: {  	v59 =	vsel vm4, $0x100, v1;
	v44 =	vld.idx.msk [tilespmem:v63+s2+$0x0], $0xffff;
	v61 =	vor.u32 s2, v19;
	v36 =	vor.u32 v47, v38  }
0x25: {  	v63 =	vor.u32 s2, v20;
	vm5 =	vgt.f32 v33, $9.999999770e-03;
	v35 =	vld.idx.msk [tilespmem:v62+s2+$0x0], $0xffff;
	v36 =	vor.u32 v48, v36  }
0x26: {  	vm8 =	vgt.f32 v37, $9.999999770e-03;
	vm9 =	vgt.f32 v34, $9.999999770e-03;
	v36 =	vor.u32 v50, v36  }
0x27: {  	vm11 =	vgt.f32 v40, $9.999999770e-03;
	vm12 =	vgt.f32 v43, $9.999999770e-03;
	v36 =	vor.u32 v53, v36  }
0x28: {  	vm13 =	vgt.f32 v39, $9.999999770e-03;
	v60 =	vsel vm5, $0x200, v1;
	v36 =	vor.u32 v54, v36  }
0x29: {  	v58 =	vsel vm12, $0x10000, v1;
	vm7 =	vgt.f32 v44, $9.999999770e-03;
	v38 =	vld.idx.msk [tilespmem:v52+s2+$0x0], $0xffff;
	v36 =	vor.u32 v56, v36  }
0x2a: {  	v48 =	vor.u32 s2, v21;
	vm6 =	vgt.f32 v35, $9.999999770e-03;
	v33 =	vor.u32 v59, v36  }
0x2b: {  	v44 =	vld.idx.msk [tilespmem:v63+s2+$0x0], $0xffff;
	v63 =	vor.u32 s2, v30;
	v62 =	vsel vm6, $0x400, v1;
	v33 =	vor.u32 v60, v33  }
0x2c: {  	v34 =	vld.idx.msk [tilespmem:v51+s2+$0x0], $0xffff;
	v49 =	vsel vm7, $0x800, v1;
	v53 =	vor.u32 s2, v23;
	v33 =	vor.u32 v62, v33  }
0x2d: {  	v52 =	vsel vm9, $0x2000, v1;
	v50 =	vsel vm8, $0x1000, v1;
	v35 =	vld.idx.msk [tilespmem:v61+s2+$0x0], $0xffff;
	v33 =	vor.u32 v49, v33  }
0x2e: {  	v54 =	vor.u32 s2, v25;
	vm10 =	vgt.f32 v38, $9.999999770e-03;
	v33 =	vor.u32 v50, v33  }
0x2f: {  	v47 =	vor.u32 s2, v31;
	v55 =	vsel vm10, $0x4000, v1;
	v36 =	vld.idx.msk [tilespmem:v48+s2+$0x0], $0xffff;
	v33 =	vor.u32 v52, v33  }
0x30: {  	v56 =	vsel vm11, $0x8000, v1;
	v59 =	vor.u32 s2, v27;
	v33 =	vor.u32 v55, v33  }
0x31: {  	vm5 =	vgt.f32 v34, $9.999999770e-03;
	v61 =	vsel vm13, $0x20000, v1;
	v38 =	vld.idx.msk [tilespmem:v53+s2+$0x0], $0xffff;
	v33 =	vor.u32 v56, v33  }
0x32: {  	v42 =	vld.idx.msk [tilespmem:v42+s2+$0x0], $0xffff;
	v60 =	vor.u32 s2, v29;
	vm14 =	vgt.f32 v35, $9.999999770e-03;
	v33 =	vor.u32 v58, v33  }
0x33: {  	vm15 =	vgt.f32 v44, $9.999999770e-03;
	v62 =	vsel vm14, $0x40000, v1;
	v37 =	vld.idx.msk [tilespmem:v54+s2+$0x0], $0xffff;
	v33 =	vor.u32 v61, v33  }
0x34: {  	v43 =	vld.idx.msk [tilespmem:v57+s2+$0x0], $0xffff;
	v46 =	vsel vm15, $0x80000, v1;
	vm4 =	vgt.f32 v36, $9.999999770e-03;
	v33 =	vor.u32 v62, v33  }
0x35: {  	v48 =	vor.u32 s2, v32;
	v39 =	vld.idx.msk [tilespmem:v59+s2+$0x0], $0xffff;
	v49 =	vsel vm4, $0x100000, v1;
	v33 =	vor.u32 v46, v33  }
0x36: {  	v51 =	vsel vm5, $0x200000, v1;
	v50 =	vld.idx.msk [tilespmem:v41+s2+$0x0], $0xffff;
	vm6 =	vgt.f32 v38, $9.999999770e-03;
	v33 =	vor.u32 v49, v33  }
0x37: {  	vm7 =	vgt.f32 v42, $9.999999770e-03;
	v52 =	vld.idx.msk [tilespmem:v60+s2+$0x0], $0xffff;
	v53 =	vsel vm6, $0x400000, v1;
	v33 =	vor.u32 v51, v33  }
0x38: {  	v54 =	vld.idx.msk [tilespmem:v63+s2+$0x0], $0xffff;
	v55 =	vsel vm7, $0x800000, v1;
	vm8 =	vgt.f32 v37, $9.999999770e-03;
	v33 =	vor.u32 v53, v33  }
0x39: {  	vm9 =	vgt.f32 v43, $9.999999770e-03;
	v36 =	vld.idx.msk [tilespmem:v47+s2+$0x0], $0xffff;
	v56 =	vsel vm8, $0x1000000, v1;
	v33 =	vor.u32 v55, v33  }
0x3a: {  	v57 =	vsel vm9, $0x2000000, v1;
	v35 =	vld.idx.msk [tilespmem:v48+s2+$0x0], $0xffff;
	vm10 =	vgt.f32 v39, $9.999999770e-03;
	v33 =	vor.u32 v56, v33  }
0x3b: {  	vm11 =	vgt.f32 v50, $9.999999770e-03;
	v58 =	vsel vm10, $0x4000000, v1;
	v33 =	vor.u32 v57, v33  }
0x3c: {  	v59 =	vsel vm11, $0x8000000, v1;
	vm12 =	vgt.f32 v52, $9.999999770e-03;
	v33 =	vor.u32 v58, v33  }
0x3d: {  	vm13 =	vgt.f32 v54, $9.999999770e-03;
	v60 =	vsel vm12, $0x10000000, v1;
	v33 =	vor.u32 v59, v33  }
0x3e: {  	v61 =	vsel vm13, $0x20000000, v1;
	vm14 =	vgt.f32 v36, $9.999999770e-03;
	v33 =	vor.u32 v60, v33  }
0x3f: {  	vm15 =	vgt.f32 v35, $9.999999770e-03;
	v62 =	vsel vm14, $0x40000000, v1;
	v33 =	vor.u32 v61, v33  }
0x40: {  	s10 =	simm.s32 $0x200;
	v63 =	vsel vm15, $0x80000000, v1;
	v33 =	vor.u32 v62, v33  }
0x41: {  	s11 =	simm.s32 $0x400;
	s9 =	simm.s32 $0x10000;
	v38 =	vor.u32 s10, v2;
	v39 =	vor.u32 s10, v3;
	v34 =	vor.u32 v63, v33  }
.LBB2_2:
0x42: {  	v0 =	vld [tilespmem:$0x1FFF0];
	_ =	sdelay $0x3  }
0x43: {  	v33 =	vor.u32 s10, v32;
	v41 =	vor.u32 s10, v4  }
0x44: {  	[tilespmem:s9+$0x0] =	vst v34;
	v35 =	vor.u32 s10, v30;
	v34 =	vor.u32 s10, v31;
	v40 =	vor.u32 s10, v0  }
0x45: {  	v42 =	vor.u32 s10, v5;
	v37 =	vor.u32 s10, v28;
	v36 =	vor.u32 s10, v29  }
0x46: {  	v44 =	vor.u32 s10, v6;
	v45 =	vor.u32 s10, v26;
	v46 =	vor.u32 s10, v7  }
0x47: {  	v47 =	vor.u32 s10, v24;
	v48 =	vor.u32 s10, v25;
	v49 =	vor.u32 s10, v8;
	v43 =	vld.idx.msk [tilespmem:v38+s2+$0x0], $0xffff  }
0x48: {  	v50 =	vor.u32 s10, v22;
	v51 =	vor.u32 s10, v23;
	v52 =	vor.u32 s10, v9;
	v39 =	vld.idx.msk [tilespmem:v39+s2+$0x0], $0xffff  }
0x49: {  	v53 =	vor.u32 s10, v20;
	v54 =	vor.u32 s10, v21;
	v55 =	vor.u32 s10, v10;
	v40 =	vld.idx.msk [tilespmem:v40+s2+$0x0], $0xffff  }
0x4a: {  	v56 =	vor.u32 s10, v18;
	v57 =	vor.u32 s10, v19;
	v58 =	vor.u32 s10, v11;
	v41 =	vld.idx.msk [tilespmem:v41+s2+$0x0], $0xffff  }
0x4b: {  	v59 =	vor.u32 s10, v16;
	v60 =	vor.u32 s10, v17;
	v61 =	vor.u32 s10, v12;
	v42 =	vld.idx.msk [tilespmem:v42+s2+$0x0], $0xffff  }
0x4c: {  	v62 =	vor.u32 s10, v14;
	v63 =	vor.u32 s10, v15;
	v38 =	vor.u32 s10, v27;
	v44 =	vld.idx.msk [tilespmem:v44+s2+$0x0], $0xffff  }
0x4d: {  	v46 =	vld.idx.msk [tilespmem:v46+s2+$0x0], $0xffff;
	vm0 =	vgt.f32 v43, $9.999999770e-03;
	vm1 =	vgt.f32 v39, $9.999999770e-03;
	v43 =	vor.u32 s10, v13  }
0x4e: {  	v39 =	vld.idx.msk [tilespmem:v49+s2+$0x0], $0xffff;
	v49 =	vsel vm0, $0x1, v1;
	v0 =	vsel vm1, $0x2, v1;
	vm10 =	vgt.f32 v40, $9.999999770e-03  }
0x4f: {  	v0 =	vor.u32 v49, v0;
	vm11 =	vgt.f32 v41, $9.999999770e-03;
	v40 =	vld.idx.msk [tilespmem:v52+s2+$0x0], $0xffff;
	v52 =	vsel vm10, $0x4, v1  }
0x50: {  	v41 =	vld.idx.msk [tilespmem:v55+s2+$0x0], $0xffff;
	vm12 =	vgt.f32 v42, $9.999999770e-03;
	v55 =	vsel vm11, $0x8, v1;
	v0 =	vor.u32 v52, v0  }
0x51: {  	v42 =	vld.idx.msk [tilespmem:v58+s2+$0x0], $0xffff;
	vm13 =	vgt.f32 v44, $9.999999770e-03;
	v52 =	vsel vm12, $0x10, v1;
	v0 =	vor.u32 v55, v0  }
0x52: {  	vm14 =	vgt.f32 v46, $9.999999770e-03;
	v58 =	vsel vm13, $0x20, v1;
	v55 =	vld.idx.msk [tilespmem:v61+s2+$0x0], $0xffff;
	v0 =	vor.u32 v52, v0  }
0x53: {  	v43 =	vld.idx.msk [tilespmem:v43+s2+$0x0], $0xffff;
	v46 =	vsel vm14, $0x40, v1;
	vm15 =	vgt.f32 v39, $9.999999770e-03;
	v0 =	vor.u32 v58, v0  }
0x54: {  	v39 =	vld.idx.msk [tilespmem:v62+s2+$0x0], $0xffff;
	v61 =	vsel vm15, $0x80, v1;
	vm4 =	vgt.f32 v40, $9.999999770e-03;
	v0 =	vor.u32 v46, v0  }
0x55: {  	v62 =	vld.idx.msk [tilespmem:v63+s2+$0x0], $0xffff;
	vm5 =	vgt.f32 v41, $9.999999770e-03;
	v63 =	vsel vm4, $0x100, v1;
	v0 =	vor.u32 v61, v0  }
0x56: {  	v41 =	vld.idx.msk [tilespmem:v59+s2+$0x0], $0xffff;
	vm6 =	vgt.f32 v42, $9.999999770e-03;
	v49 =	vsel vm5, $0x200, v1;
	v0 =	vor.u32 v63, v0  }
0x57: {  	v42 =	vld.idx.msk [tilespmem:v60+s2+$0x0], $0xffff;
	v52 =	vsel vm6, $0x400, v1;
	vm7 =	vgt.f32 v55, $9.999999770e-03;
	v0 =	vor.u32 v49, v0  }
0x58: {  	vm8 =	vgt.f32 v43, $9.999999770e-03;
	v55 =	vld.idx.msk [tilespmem:v56+s2+$0x0], $0xffff;
	v56 =	vsel vm7, $0x800, v1;
	v0 =	vor.u32 v52, v0  }
0x59: {  	vm9 =	vgt.f32 v39, $9.999999770e-03;
	v59 =	vsel vm8, $0x1000, v1;
	v58 =	vld.idx.msk [tilespmem:v57+s2+$0x0], $0xffff;
	v0 =	vor.u32 v56, v0  }
0x5a: {  	v60 =	vld.idx.msk [tilespmem:v53+s2+$0x0], $0xffff;
	vm10 =	vgt.f32 v62, $9.999999770e-03;
	v61 =	vsel vm9, $0x2000, v1;
	v0 =	vor.u32 v59, v0  }
0x5b: {  	v62 =	vld.idx.msk [tilespmem:v54+s2+$0x0], $0xffff;
	vm11 =	vgt.f32 v41, $9.999999770e-03;
	v63 =	vsel vm10, $0x4000, v1;
	v0 =	vor.u32 v61, v0  }
0x5c: {  	vm12 =	vgt.f32 v42, $9.999999770e-03;
	v49 =	vld.idx.msk [tilespmem:v50+s2+$0x0], $0xffff;
	v50 =	vsel vm11, $0x8000, v1;
	v0 =	vor.u32 v63, v0  }
0x5d: {  	v53 =	vsel vm12, $0x10000, v1;
	v52 =	vld.idx.msk [tilespmem:v51+s2+$0x0], $0xffff;
	vm13 =	vgt.f32 v55, $9.999999770e-03;
	v0 =	vor.u32 v50, v0  }
0x5e: {  	v54 =	vld.idx.msk [tilespmem:v47+s2+$0x0], $0xffff;
	vm14 =	vgt.f32 v58, $9.999999770e-03;
	v55 =	vsel vm13, $0x20000, v1;
	v0 =	vor.u32 v53, v0  }
0x5f: {  	vm15 =	vgt.f32 v60, $9.999999770e-03;
	v56 =	vld.idx.msk [tilespmem:v48+s2+$0x0], $0xffff;
	v57 =	vsel vm14, $0x40000, v1;
	v0 =	vor.u32 v55, v0  }
0x60: {  	vm4 =	vgt.f32 v62, $9.999999770e-03;
	v58 =	vld.idx.msk [tilespmem:v45+s2+$0x0], $0xffff;
	v59 =	vsel vm15, $0x80000, v1;
	v0 =	vor.u32 v57, v0  }
0x61: {  	v38 =	vld.idx.msk [tilespmem:v38+s2+$0x0], $0xffff;
	v40 =	vsel vm4, $0x100000, v1;
	vm5 =	vgt.f32 v49, $9.999999770e-03;
	v0 =	vor.u32 v59, v0  }
0x62: {  	v37 =	vld.idx.msk [tilespmem:v37+s2+$0x0], $0xffff;
	v60 =	vsel vm5, $0x200000, v1;
	vm6 =	vgt.f32 v52, $9.999999770e-03;
	v0 =	vor.u32 v40, v0  }
0x63: {  	v36 =	vld.idx.msk [tilespmem:v36+s2+$0x0], $0xffff;
	vm7 =	vgt.f32 v54, $9.999999770e-03;
	v61 =	vsel vm6, $0x400000, v1;
	v0 =	vor.u32 v60, v0  }
0x64: {  	v35 =	vld.idx.msk [tilespmem:v35+s2+$0x0], $0xffff;
	v62 =	vsel vm7, $0x800000, v1;
	vm8 =	vgt.f32 v56, $9.999999770e-03;
	v0 =	vor.u32 v61, v0  }
0x65: {  	v34 =	vld.idx.msk [tilespmem:v34+s2+$0x0], $0xffff;
	vm9 =	vgt.f32 v58, $9.999999770e-03;
	v63 =	vsel vm8, $0x1000000, v1;
	v0 =	vor.u32 v62, v0  }
0x66: {  	v33 =	vld.idx.msk [tilespmem:v33+s2+$0x0], $0xffff;
	vm10 =	vgt.f32 v38, $9.999999770e-03;
	v39 =	vsel vm9, $0x2000000, v1;
	v0 =	vor.u32 v63, v0  }
0x67: {  	v38 =	vsel vm10, $0x4000000, v1;
	vm11 =	vgt.f32 v37, $9.999999770e-03;
	v0 =	vor.u32 v39, v0  }
0x68: {  	p0 =	sne.s32 s11, $0xFE00;
	vm12 =	vgt.f32 v36, $9.999999770e-03;
	v37 =	vsel vm11, $0x8000000, v1;
	v0 =	vor.u32 v38, v0  }
.Ltmp0:
0x69: {  	v36 =	vsel vm12, $0x10000000, v1;
	vm13 =	vgt.f32 v35, $9.999999770e-03;
	v0 =	vor.u32 v37, v0;
	(pc) =	sbr.rel @p0 .LBB2_2-.Ltmp0, $4  }
0x6a: {  	vm14 =	vgt.f32 v34, $9.999999770e-03;
	v35 =	vsel vm13, $0x20000000, v1;
	v0 =	vor.u32 v36, v0  }
0x6b: {  	v34 =	vsel vm14, $0x40000000, v1;
	vm15 =	vgt.f32 v33, $9.999999770e-03;
	v0 =	vor.u32 v35, v0  }
0x6c: {  	s10 =	smov.u32 s11;
	v33 =	vsel vm15, $0x80000000, v1;
	v0 =	vor.u32 v34, v0  }
0x6d: {  	s9 =	sadd.s32 $0x10, s9;
	v39 =	vor.u32 s10, v3;
	v38 =	vor.u32 s11, v2;
	s11 =	sadd.s32 $0x200, s11;
	v34 =	vor.u32 v33, v0  }
0x6e: {  	v0 =	vld [tilespmem:$0x1FFF0];
	_ =	sdelay $0x3  }
0x6f: {  	v33 =	vor.u32 s10, v32;
	v35 =	vor.u32 s10, v4  }
0x70: {  	v36 =	vor.u32 s10, v30;
	v37 =	vor.u32 s10, v31;
	v0 =	vor.u32 s10, v0  }
0x71: {  	v40 =	vor.u32 s10, v5;
	v41 =	vor.u32 s10, v28;
	v42 =	vor.u32 s10, v29  }
0x72: {  	[tilespmem:s9+$0x0] =	vst v34;
	v62 =	vor.u32 s10, v6;
	v43 =	vor.u32 s10, v26;
	v44 =	vor.u32 s10, v27  }
0x73: {  	v45 =	vor.u32 s10, v7;
	v46 =	vor.u32 s10, v24;
	v47 =	vor.u32 s10, v25;
	v38 =	vld.idx.msk [tilespmem:v38+s2+$0x0], $0xffff  }
0x74: {  	v48 =	vor.u32 s10, v8;
	v49 =	vor.u32 s10, v22;
	v50 =	vor.u32 s10, v23;
	v39 =	vld.idx.msk [tilespmem:v39+s2+$0x0], $0xffff  }
0x75: {  	v51 =	vor.u32 s10, v9;
	v52 =	vor.u32 s10, v20;
	v53 =	vor.u32 s10, v21;
	v0 =	vld.idx.msk [tilespmem:v0+s2+$0x0], $0xffff  }
0x76: {  	v54 =	vor.u32 s10, v10;
	v55 =	vor.u32 s10, v18;
	v56 =	vor.u32 s10, v19;
	v35 =	vld.idx.msk [tilespmem:v35+s2+$0x0], $0xffff  }
0x77: {  	v57 =	vor.u32 s10, v11;
	v58 =	vor.u32 s10, v16;
	v59 =	vor.u32 s10, v17;
	v40 =	vld.idx.msk [tilespmem:v40+s2+$0x0], $0xffff  }
0x78: {  	v60 =	vor.u32 s10, v12;
	v61 =	vor.u32 s10, v14;
	v34 =	vld.idx.msk [tilespmem:v62+s2+$0x0], $0xffff;
	v62 =	vor.u32 s10, v15  }
0x79: {  	v45 =	vld.idx.msk [tilespmem:v45+s2+$0x0], $0xffff;
	vm0 =	vgt.f32 v38, $9.999999770e-03;
	vm1 =	vgt.f32 v39, $9.999999770e-03;
	v38 =	vor.u32 s10, v13  }
0x7a: {  	v39 =	vld.idx.msk [tilespmem:v48+s2+$0x0], $0xffff;
	v48 =	vsel vm0, $0x1, v1;
	v63 =	vsel vm1, $0x2, v1;
	vm10 =	vgt.f32 v0, $9.999999770e-03  }
0x7b: {  	v48 =	vor.u32 v48, v63;
	vm11 =	vgt.f32 v35, $9.999999770e-03;
	v0 =	vld.idx.msk [tilespmem:v51+s2+$0x0], $0xffff;
	v63 =	vsel vm10, $0x4, v1  }
0x7c: {  	v35 =	vld.idx.msk [tilespmem:v54+s2+$0x0], $0xffff;
	vm12 =	vgt.f32 v40, $9.999999770e-03;
	v54 =	vsel vm11, $0x8, v1;
	v48 =	vor.u32 v63, v48  }
0x7d: {  	v40 =	vld.idx.msk [tilespmem:v57+s2+$0x0], $0xffff;
	vm13 =	vgt.f32 v34, $9.999999770e-03;
	v63 =	vsel vm12, $0x10, v1;
	v48 =	vor.u32 v54, v48  }
0x7e: {  	v34 =	vld.idx.msk [tilespmem:v60+s2+$0x0], $0xffff;
	vm14 =	vgt.f32 v45, $9.999999770e-03;
	v54 =	vsel vm13, $0x20, v1;
	v48 =	vor.u32 v63, v48  }
0x7f: {  	v38 =	vld.idx.msk [tilespmem:v38+s2+$0x0], $0xffff;
	v60 =	vsel vm14, $0x40, v1;
	vm15 =	vgt.f32 v39, $9.999999770e-03;
	v57 =	vor.u32 v54, v48  }
0x80: {  	v39 =	vld.idx.msk [tilespmem:v61+s2+$0x0], $0xffff;
	v63 =	vsel vm15, $0x80, v1;
	vm4 =	vgt.f32 v0, $9.999999770e-03;
	v45 =	vor.u32 v60, v57  }
0x81: {  	vm5 =	vgt.f32 v35, $9.999999770e-03;
	v0 =	vld.idx.msk [tilespmem:v62+s2+$0x0], $0xffff;
	v54 =	vsel vm4, $0x100, v1;
	v45 =	vor.u32 v63, v45  }
0x82: {  	v35 =	vld.idx.msk [tilespmem:v58+s2+$0x0], $0xffff;
	vm6 =	vgt.f32 v40, $9.999999770e-03;
	v57 =	vsel vm5, $0x200, v1;
	v45 =	vor.u32 v54, v45  }
0x83: {  	v58 =	vld.idx.msk [tilespmem:v59+s2+$0x0], $0xffff;
	vm7 =	vgt.f32 v34, $9.999999770e-03;
	v59 =	vsel vm6, $0x400, v1;
	v45 =	vor.u32 v57, v45  }
0x84: {  	v61 =	vsel vm7, $0x800, v1;
	vm8 =	vgt.f32 v38, $9.999999770e-03;
	v60 =	vld.idx.msk [tilespmem:v55+s2+$0x0], $0xffff;
	v45 =	vor.u32 v59, v45  }
0x85: {  	vm9 =	vgt.f32 v39, $9.999999770e-03;
	v62 =	vld.idx.msk [tilespmem:v56+s2+$0x0], $0xffff;
	v63 =	vsel vm8, $0x1000, v1;
	v45 =	vor.u32 v61, v45  }
0x86: {  	v52 =	vld.idx.msk [tilespmem:v52+s2+$0x0], $0xffff;
	v54 =	vsel vm9, $0x2000, v1;
	vm10 =	vgt.f32 v0, $9.999999770e-03;
	v45 =	vor.u32 v63, v45  }
0x87: {  	vm11 =	vgt.f32 v35, $9.999999770e-03;
	v0 =	vld.idx.msk [tilespmem:v53+s2+$0x0], $0xffff;
	v55 =	vsel vm10, $0x4000, v1;
	v45 =	vor.u32 v54, v45  }
0x88: {  	v56 =	vld.idx.msk [tilespmem:v49+s2+$0x0], $0xffff;
	vm12 =	vgt.f32 v58, $9.999999770e-03;
	v57 =	vsel vm11, $0x8000, v1;
	v45 =	vor.u32 v55, v45  }
0x89: {  	v58 =	vld.idx.msk [tilespmem:v50+s2+$0x0], $0xffff;
	v59 =	vsel vm12, $0x10000, v1;
	vm13 =	vgt.f32 v60, $9.999999770e-03;
	v45 =	vor.u32 v57, v45  }
0x8a: {  	vm14 =	vgt.f32 v62, $9.999999770e-03;
	v60 =	vld.idx.msk [tilespmem:v46+s2+$0x0], $0xffff;
	v61 =	vsel vm13, $0x20000, v1;
	v45 =	vor.u32 v59, v45  }
0x8b: {  	vm15 =	vgt.f32 v52, $9.999999770e-03;
	v62 =	vld.idx.msk [tilespmem:v47+s2+$0x0], $0xffff;
	v63 =	vsel vm14, $0x40000, v1;
	v45 =	vor.u32 v61, v45  }
0x8c: {  	v48 =	vld.idx.msk [tilespmem:v43+s2+$0x0], $0xffff;
	v50 =	vsel vm15, $0x80000, v1;
	vm4 =	vgt.f32 v0, $9.999999770e-03;
	v49 =	vor.u32 v63, v45  }
0x8d: {  	vm5 =	vgt.f32 v56, $9.999999770e-03;
	v0 =	vld.idx.msk [tilespmem:v44+s2+$0x0], $0xffff;
	v51 =	vsel vm4, $0x100000, v1;
	v43 =	vor.u32 v50, v49  }
0x8e: {  	v52 =	vld.idx.msk [tilespmem:v41+s2+$0x0], $0xffff;
	vm6 =	vgt.f32 v58, $9.999999770e-03;
	v54 =	vsel vm5, $0x200000, v1;
	v53 =	vor.u32 v51, v43  }
0x8f: {  	v56 =	vsel vm6, $0x400000, v1;
	v55 =	vld.idx.msk [tilespmem:v42+s2+$0x0], $0xffff;
	vm7 =	vgt.f32 v60, $9.999999770e-03;
	v41 =	vor.u32 v54, v53  }
0x90: {  	v57 =	vld.idx.msk [tilespmem:v36+s2+$0x0], $0xffff;
	vm8 =	vgt.f32 v62, $9.999999770e-03;
	v59 =	vsel vm7, $0x800000, v1;
	v58 =	vor.u32 v56, v41  }
0x91: {  	v37 =	vld.idx.msk [tilespmem:v37+s2+$0x0], $0xffff;
	vm9 =	vgt.f32 v48, $9.999999770e-03;
	v38 =	vsel vm8, $0x1000000, v1;
	v36 =	vor.u32 v59, v58  }
0x92: {  	v33 =	vld.idx.msk [tilespmem:v33+s2+$0x0], $0xffff;
	v60 =	vsel vm9, $0x2000000, v1;
	vm10 =	vgt.f32 v0, $9.999999770e-03;
	v36 =	vor.u32 v38, v36  }
0x93: {  	vm11 =	vgt.f32 v52, $9.999999770e-03;
	v61 =	vsel vm10, $0x4000000, v1;
	v0 =	vor.u32 v60, v36  }
0x94: {  	v35 =	vsel vm11, $0x8000000, v1;
	vm12 =	vgt.f32 v55, $9.999999770e-03;
	v0 =	vor.u32 v61, v0  }
0x95: {  	v62 =	vsel vm12, $0x10000000, v1;
	vm13 =	vgt.f32 v57, $9.999999770e-03;
	v0 =	vor.u32 v35, v0  }
0x96: {  	vm14 =	vgt.f32 v37, $9.999999770e-03;
	v34 =	vsel vm13, $0x20000000, v1;
	v0 =	vor.u32 v62, v0  }
0x97: {  	vm15 =	vgt.f32 v33, $9.999999770e-03;
	v63 =	vsel vm14, $0x40000000, v1;
	v0 =	vor.u32 v34, v0  }
0x98: {  	s8 =	sadd.s32 $0x1, s8;
	v33 =	vsel vm15, $0x80000000, v1;
	v0 =	vor.u32 v63, v0  }
0x99: {  	s31 =	sadd.s32 $0x10, s9;
	p0 =	sne.s32 s8, s5;
	v0 =	vor.u32 v33, v0  }
.Ltmp1:
0x9a: {  	[tilespmem:s31+$0x0] =	vst v0;
	(pc) =	sbr.rel @p0 .LBB2_1-.Ltmp1, $4  }
0x9b: {  	[hbm4b:s4+s2] =	stream.linear.scatter [tilespmem:s7], [sflag:$0x1], $0x800, $0x38;
	[tilespmem:$0x10800] =	vst v63  }
0x9c: {  	_ =	swait.ge [sflag:s6], $0x800  }
0x9d: {  	[sflag:s6] =	ssyncset.done $0x0  }
0x9e: {  	[sflag:s6] =	ssyncadd.s32 $0xFFFFF800  }
0x9f: {  	_ =	sfence.sel $0x180000  }
0xa0: {  	[bflag:$0x0] =	sbarrier.arrive $0xFFFF  }
0xa1: {  	p0 =	sne.s32 s1, $0x0;
	_ =	strace $0x90000047  }
0xa2: {  	s0 =	sadd.s32 @!p0 $0x100000, s0;
	[bflag:$0x2] =	sbarrier.arrive $0xFFFF  }
0xa3: {  	[sflag:s0] =	ssyncadd.tile.s32 @!p0 $0x1;
	_ =	shalt  }
.Lfunc_end2:
_tile_overlayer_lowered:
.L_overlay_start_2:
0xa4: {  	(tag) =	ssettag $0x2  }
0xa5: {  	s0 =	rddreg [dreg:$0x0];
	s2 =	stileid.u32  }
0xa6: {  	s1 =	rddreg [dreg:$0x1];
	p0 =	sne.s32 s2, $0x0  }
0xa7: {  	s3 =	rddreg [dreg:$0x2];
	[bflag:$0x3] =	sbarrier.arrive $0xFFFF;
	s2 =	simm.s32 @!p0 $0x1C01  }
0xa8: {  	[timem:s3], [sflag:s2] =	dma.local @!p0 [hbm:s0], s1  }
0xa9: {  	s0 =	simm.s32 @!p0 $0x1  }
0xaa: {  	_ =	swait.ge @!p0 [sflag:s0], s1  }
0xab: {  	s1 =	ssub.s32 @!p0 $0x0, s1;
	[sflag:s0] =	ssyncset.done @!p0 $0x0  }
0xac: {  	[sflag:s0] =	ssyncadd.s32 @!p0 s1  }
0xad: {  	[bflag:$0x3] =	sbarrier.arrive $0xFFFF  }
0xae: {  	_ =	shalt  }

// kernel: kernel.7.cloned.1.call-start
scs
__scs_entry_jumppad:
0x0: {  	(pc) =	sbr.rel $0x88, $3  }
0x1: {  	(tag) =	ssettag $0x0;
	lr =	simm.s32 $0x1  }
0x2: {  	[smem:$0x3F9F] =	sst lr;
	_ =	strace $0xD0000000  }
0x3: {  	_ = 	snop  }
0x4: {  	_ = 	snop  }
0x5: {  	_ = 	snop  }
0x6: {  	_ = 	snop  }
0x7: {  	_ = 	snop  }
__scs_overlays_trampoline_lowered:
0x8: {  	[smem:$0x3FAE] =	sst s0  }
0x9: {  	[smem:$0x3FAF] =	sst s1  }
0xa: {  	[smem:$0x3FB0] =	sst s2  }
0xb: {  	[smem:$0x3FB1] =	sst s3  }
0xc: {  	[smem:$0x3FB2] =	sst s4  }
0xd: {  	[smem:$0x3FB3] =	sst s5  }
0xe: {  	[smem:$0x3FB4] =	sst s6  }
0xf: {  	[smem:$0x3FB5] =	sst s7  }
0x10: {  	[smem:$0x3FB6] =	sst s8  }
0x11: {  	[smem:$0x3FB7] =	sst s9;
	s0 =	simm.s32 @!p0 $0x0  }
0x12: {  	s1 =	sld [smem:$0x3F9D];
	s0 =	simm.s32 @p0 $0x1  }
0x13: {  	[smem:$0x3FB8] =	sst s0;
	s0 =	simm.s32 @!p1 $0x0  }
0x14: {  	s2 =	sld [smem:$0x3F9C];
	s0 =	simm.s32 @p1 $0x1  }
0x15: {  	[smem:$0x3FB9] =	sst s0;
	s0 =	simm.s32 @!p2 $0x0  }
0x16: {  	s3 =	sld [smem:$0x3FDB];
	s0 =	simm.s32 @p2 $0x1  }
0x17: {  	s4 =	simm.s32 $0x1BF5;
	[smem:$0x3FBB] =	sst s0  }
0x18: {  	s0 =	sld [smem:$0x3F9E];
	_ =	swait.ge [sflag:s4], $0x0  }
0x19: {  	s7 =	sld [smem:$0x3F9F]  }
0x1a: {  	s8 =	sadd.s32 $0xFFFFE003, lr  }
0x1b: {  	s9 =	sadd.s32 $0xFFFFFEF7, lr;
	s5 =	simm.s32 $0xFFFFFFFF;
	p2 =	slt.u32 s8, $0xFFFFF086  }
0x1c: {  	p1 =	slt.u32 s9, $0xF7A;
	s5 =	simm.s32 @!p2 $0x0  }
0x1d: {  	s5 =	simm.s32 @p1 $0x1;
	p0 =	seq.s32 s7, s2  }
0x1e: {  	s7 =	smul.u32 @!p0 $0xF7A, s2;
	p2 =	seq.s32 @!p0 s5, $0x0  }
0x1f: {  	s9 =	smul.u32 $0xF7A, s1;
	s8 =	simm.s32 @!p0 $0x1BF5;
	p2 =	por !p2, p0  }
0x20: {  	[sflag:s8] =	ssyncset.s32 @!p0 $0xFFFFF086;
	s6 =	sadd.s32 @!p0 s3, s7;
	s7 =	simm.s32 @!p0 $0x108  }
0x21: {  	s3 =	sadd.s32 s3, s9;
	s6 =	sadd.s32 @!p0 $0x88, s6;
	s7 =	simm.s32 @p2 $0x1082  }
0x22: {  	[simem:s7], [sflag:s8] =	dma.local @!p0 [hbm:s6], $0xF7A  }
0x23: {  	s9 =	sor.u32 $0xD0000000, s2;
	s6 =	simm.s32 $0x108;
	_ =	swait.ge @!p0 [sflag:s8], $0x0  }
0x24: {  	s3 =	sadd.s32 $0x88, s3;
	s6 =	simm.s32 @!p1 $0x1082;
	[sflag:s4] =	ssyncset.s32 $0xFFFFF086  }
0x25: {  	[simem:s6], [sflag:s4] =	dma.local [hbm:s3], $0xF7A  }
0x26: {  	[smem:$0x3F9F] =	sst s1;
	(tag) =	ssettag s2;
	_ =	strace s9  }
0x27: {  	s1 =	sld [smem:$0x3FAF]  }
0x28: {  	s2 =	sld [smem:$0x3FB0]  }
0x29: {  	s4 =	sld [smem:$0x3FB2]  }
0x2a: {  	p0 =	seq.s32 s5, $0x0;
	s5 =	sld [smem:$0x3FB3]  }
0x2b: {  	s6 =	sld [smem:$0x3FB4]  }
0x2c: {  	s7 =	sld [smem:$0x3FB5]  }
0x2d: {  	s3 =	simm.s32 $0x108;
	s8 =	sld [smem:$0x3FB6]  }
0x2e: {  	s3 =	simm.s32 @!p0 $0x1082;
	s9 =	sld [smem:$0x3FB7]  }
0x2f: {  	lr =	sadd.s32 s0, s3;
	s0 =	sld [smem:$0x3FAE]  }
0x30: {  	s3 =	sld [smem:$0x3FB1]  }
0x31: {  	[smem:$0x3FBA] =	sst s10  }
0x32: {  	s10 =	sld [smem:$0x3FB8];
	_ =	sdelay $0x3  }
0x33: {  	p0 =	seq.s32 s10, $0x1;
	s10 =	sld [smem:$0x3FBA];
	_ =	sdelay $0x3  }
0x34: {  	[smem:$0x3FBA] =	sst s10  }
0x35: {  	s10 =	sld [smem:$0x3FB9];
	_ =	sdelay $0x3  }
0x36: {  	p1 =	seq.s32 s10, $0x1;
	s10 =	sld [smem:$0x3FBA];
	_ =	sdelay $0x3  }
0x37: {  	[smem:$0x3FBA] =	sst s10  }
0x38: {  	s10 =	sld [smem:$0x3FBB]  }
0x39: {  	_ = 	snop;
	(pc) =	sbr.ind lr, $3  }
0x3a: {  	_ = 	snop  }
0x3b: {  	_ = 	snop  }
0x3c: {  	p2 =	seq.s32 s10, $0x1;
	s10 =	sld [smem:$0x3FBA]  }
0x3d: {  	_ =	shalt  }
0x3e: {  	_ =	shalt  }
0x3f: {  	_ =	shalt  }
0x40: {  	_ =	shalt  }
0x41: {  	_ =	shalt  }
0x42: {  	_ =	shalt  }
0x43: {  	_ =	shalt  }
0x44: {  	_ =	shalt  }
0x45: {  	_ =	shalt  }
0x46: {  	_ =	shalt  }
0x47: {  	_ =	shalt  }
0x48: {  	_ =	shalt  }
0x49: {  	_ =	shalt  }
0x4a: {  	_ =	shalt  }
0x4b: {  	_ =	shalt  }
0x4c: {  	_ =	shalt  }
0x4d: {  	_ =	shalt  }
0x4e: {  	_ =	shalt  }
0x4f: {  	_ =	shalt  }
0x50: {  	_ =	shalt  }
0x51: {  	_ =	shalt  }
0x52: {  	_ =	shalt  }
0x53: {  	_ =	shalt  }
0x54: {  	_ =	shalt  }
0x55: {  	_ =	shalt  }
0x56: {  	_ =	shalt  }
0x57: {  	_ =	shalt  }
0x58: {  	_ =	shalt  }
0x59: {  	_ =	shalt  }
0x5a: {  	_ =	shalt  }
0x5b: {  	_ =	shalt  }
0x5c: {  	_ =	shalt  }
0x5d: {  	_ =	shalt  }
0x5e: {  	_ =	shalt  }
0x5f: {  	_ =	shalt  }
0x60: {  	_ =	shalt  }
0x61: {  	_ =	shalt  }
0x62: {  	_ =	shalt  }
0x63: {  	_ =	shalt  }
0x64: {  	_ =	shalt  }
0x65: {  	_ =	shalt  }
0x66: {  	_ =	shalt  }
0x67: {  	_ =	shalt  }
0x68: {  	_ =	shalt  }
0x69: {  	_ =	shalt  }
0x6a: {  	_ =	shalt  }
0x6b: {  	_ =	shalt  }
0x6c: {  	_ =	shalt  }
0x6d: {  	_ =	shalt  }
0x6e: {  	_ =	shalt  }
0x6f: {  	_ =	shalt  }
0x70: {  	_ =	shalt  }
0x71: {  	_ =	shalt  }
0x72: {  	_ =	shalt  }
0x73: {  	_ =	shalt  }
0x74: {  	_ =	shalt  }
0x75: {  	_ =	shalt  }
0x76: {  	_ =	shalt  }
0x77: {  	_ =	shalt  }
0x78: {  	_ =	shalt  }
0x79: {  	_ =	shalt  }
0x7a: {  	_ =	shalt  }
0x7b: {  	_ =	shalt  }
0x7c: {  	_ =	shalt  }
0x7d: {  	_ =	shalt  }
0x7e: {  	_ =	shalt  }
0x7f: {  	_ =	shalt  }
0x80: {  	_ =	shalt  }
0x81: {  	_ =	shalt  }
0x82: {  	_ =	shalt  }
0x83: {  	_ =	shalt  }
0x84: {  	_ =	shalt  }
0x85: {  	_ =	shalt  }
0x86: {  	_ =	shalt  }
0x87: {  	_ =	shalt  }
.Lfunc_end0:
.L_simem_size_0:
called_computation.1_lowered:
.L_overlay_start_0:
0x88: {  	s2 =	sld [smem:$0x3FD9]  }
0x89: {  	s3 =	sld [smem:$0x3FFE];
	_ =	sdelay $0x1  }
0x8a: {  	s1 =	srdreg.scid  }
0x8b: {  	s0 =	sand.u32 $0x1, s1  }
0x8c: {  	s14 =	sshll.u32 s0, $0xA;
	s2 =	sadd.s32 s3, s2  }
0x8d: {  	s2 =	sadd.s32 s2, s14  }
0x8e: {  	[smem:$0x3FC6] =	sst s2  }
0x8f: {  	_ = 	snop  }
0x90: {  	s2 =	sld [smem:$0x3FD0];
	_ =	sdelay $0x2  }
0x91: {  	s15 =	simm.s32 $0xA;
	s4 =	simm.s32 $0x10  }
0x92: {  	[smem:s4], [sflag:s15] =	dma.local [hbm:s2], $0x1  }
0x93: {  	_ =	swait.eq [sflag:s15], $0x1  }
0x94: {  	s16 =	sld [smem:$0x10]  }
0x95: {  	s17 =	sld [smem:$0x11];
	[sflag:s15] =	ssyncset.done $0x0  }
0x96: {  	s5 =	sld [smem:$0x12];
	[sflag:s15] =	ssyncadd.s32 $0xFFFFFFFF  }
0x97: {  	s18 =	sld [smem:$0x13];
	(tm) =	ssettm $0x1  }
0x98: {  	s6 =	sld [smem:$0x3FFB];
	_ =	sdelay $0x3  }
0x99: {  	_ =	strace s6  }
0x9a: {  	s6 =	sld [smem:$0x3FFC];
	_ =	sdelay $0x3  }
0x9b: {  	_ =	strace s6  }
0x9c: {  	s6 =	sld [smem:$0x3FFD];
	_ =	sdelay $0x3  }
0x9d: {  	_ =	strace s6  }
0x9e: {  	_ =	strace $0x8FFFFFFF  }
0x9f: {  	s19 =	sld [smem:$0x3FDB];
	_ =	sdelay $0x1  }
0xa0: {  	s7 =	simm.s32 $_scs_section_size  }
0xa1: {  	s8 =	simm.s32 $_size__tile_overlayer_lowered;
	s9 =	simm.s32 $_tile_overlayer_lowered  }
0xa2: {  	s22 =	simm.s32 $0x1BFF;
	s21 =	sshll.u32 s9, $0x1;
	s6 =	sadd.s32 s7, s19  }
0xa3: {  	s10 =	simm.s32 $0x0;
	s20 =	sshll.u32 s8, $0x1;
	s8 =	sadd.s32 s21, s6  }
0xa4: {  	[timem:s10], [sflag:s22] =	dma.local [hbm:s8], s20  }
0xa5: {  	_ =	swait.ge [sflag:s22], s20  }
0xa6: {  	s7 =	ssub.s32 $0x0, s20;
	[sflag:s22] =	ssyncset.done $0x0  }
0xa7: {  	[sflag:s22] =	ssyncadd.s32 s7;
	_ =	sdelay $0x1  }
0xa8: {  	s23 =	simm.s32 $0x1B8B  }
0xa9: {  	_ =	swait.ge [sflag:s23], $0x1  }
0xaa: {  	[sflag:s23] =	ssyncset.done $0x0  }
0xab: {  	s25 =	simm.s32 $0x1B8E;
	s24 =	sld [smem:$0x3FFE];
	[sflag:s23] =	ssyncadd.s32 $0xFFFFFFFF  }
0xac: {  	s26 =	simm.s32 $execute0_lowered;
	[smem:$0x3FD2] =	sst s25  }
0xad: {  	s8 =	sshll.u32 s26, $0x1;
	_ =	strace $0x80000049;
	[dreg:$0x1] =	wrdreg $0xFFFFFFFF  }
0xae: {  	s28 =	simm.s32 $_size_execute0_lowered;
	s6 =	sadd.s32 s6, s8;
	[dreg:$0x0] =	wrdreg $0x0  }
0xaf: {  	s8 =	sshll.u32 s28, $0x1;
	[dreg:$0x2] =	wrdreg s6  }
0xb0: {  	[dreg:$0x3] =	wrdreg s8  }
0xb1: {  	[dreg:$0x4] =	wrdreg $0xC0  }
0xb2: {  	_ =	task [dreg:s10], $0x5FFFF  }
0xb3: {  	[dreg:$0x1] =	wrdreg $0xFFFFFFFF  }
0xb4: {  	[dreg:$0x0] =	wrdreg $0x60  }
0xb5: {  	[dreg:$0x2] =	wrdreg s17  }
0xb6: {  	[dreg:$0x3] =	wrdreg s24  }
0xb7: {  	[dreg:$0x4] =	wrdreg s5  }
0xb8: {  	[dreg:$0x5] =	wrdreg s16  }
0xb9: {  	[dreg:$0x6] =	wrdreg s18  }
0xba: {  	[dreg:$0x7] =	wrdreg $0x9  }
0xbb: {  	_ =	task.clear_ibuf [dreg:s10], $0x8FFFF;
	_ =	strace $0x90000049  }
0xbc: {  	s29 =	simm.s32 $0x9;
	_ =	strace $0x8000004B  }
0xbd: {  	_ =	swait.ge [sflag:s29], $0x1  }
0xbe: {  	[sflag:s29] =	ssyncadd.s32 $0xFFFFFFFF  }
0xbf: {  	_ =	strace $0x9000004B  }
0xc0: {  	_ =	sfence  }
0xc1: {  	s30 =	sld [smem:$0x0];
	_ =	sdelay $0x2  }
0xc2: {  	s31 =	sshll.u32 s1, $0xD;
	s1 =	sshrl.u32 s1, $0x2  }
0xc3: {  	s3 =	sand.u32 $0x4000, s31;
	s1 =	sadd.s32 s1, s30  }
0xc4: {  	s0 =	sor.u32 s3, s0;
	s1 =	sshll.u32 s1, $0x11  }
0xc5: {  	s0 =	sor.u32 s1, s0  }
0xc6: {  	s0 =	sadd.s32 $0x8F2B, s0  }
0xc7: {  	[sflag:s0] =	ssyncadd.remote.s32 $0x1  }
0xc8: {  	_ =	sfence.sel $0xFFFF  }
0xc9: {  	[dreg:$0x0] =	wrdreg $0xFFFFFFFF;
	(pc) =	sbr.abs _section_cstart, $3  }
0xca: {  	[dreg:$0x1] =	wrdreg $0xFFFFFFFF  }
0xcb: {  	_ =	task.clear_ibuf [dreg:s10], $0x2FFFF;
	_ =	strace $0x9FFFFFFF  }
0xcc: {  	(tm) =	ssettm $0x7FFFFFFF  }
0xcd: {  	_ =	shalt  }
tec
execute0_lowered:
.L_overlay_start_1:
0x0: {  	(tag) =	ssettag $0x1  }
0x1: {  	s11 =	rddreg [dreg:$0x0]  }
0x2: {  	s9 =	rddreg [dreg:$0x1]  }
0x3: {  	s1 =	rddreg [dreg:$0x2]  }
0x4: {  	s2 =	rddreg [dreg:$0x3]  }
0x5: {  	s3 =	rddreg [dreg:$0x4]  }
0x6: {  	s0 =	rddreg [dreg:$0x5];
	s5 =	simm.s32 $0x0  }
0x7: {  	s6 =	srdreg.scid;
	s4 =	stileid.u32;
	v1 =	vimm.s32 $0x2040600;
	v3 =	vimm.s32 $0x3050701;
	s15 =	simm.s32 $0x10C00  }
0x8: {  	v5 =	vimm.s32 $0x4060002;
	s16 =	simm.s32 $0x10C80;
	s17 =	simm.s32 $0x10D00;
	s18 =	simm.s32 $0x10D80  }
0x9: {  	v15 =	vlaneseq.u32;
	v7 =	vimm.s32 $0x5070103;
	v10 =	vimm.s32 $0x6000204;
	s19 =	simm.s32 $0x12580;
	s20 =	simm.s32 $0x12D80;
	s21 =	simm.s32 $0x0  }
0xa: {  	v12 =	vimm.s32 $0x7010305;
	v16 =	vimm.s32 $0x0;
	[smem:$0x7FF] =	sst s5;
	v0 =	vmul.u32 $0x6, v15;
	s7 =	sand.u32 $0x1, s6;
	s8 =	sshll.u32 s4, $0x1  }
0xb: {  	s6 =	sadd.s32 $0x1400, s9;
	v1 =	vunpack.c.0.s8.s32 v1;
	v3 =	vunpack.c.0.s8.s32 v3;
	v5 =	vunpack.c.0.s8.s32 v5;
	_ =	strace $0x8000004A;
	s12 =	sor.u32 s7, s8  }
0xc: {  	v7 =	vunpack.c.0.s8.s32 v7;
	v8 =	vmul.u32 $0x180, v15;
	v10 =	vunpack.c.0.s8.s32 v10;
	s10 =	ssub.s32 $0x2, s7;
	s7 =	sadd.s32 $0x3600, s9;
	s14 =	smul.u32 $0x180, s12  }
0xd: {  	v12 =	vunpack.c.0.s8.s32 v12;
	v15 =	vmul.u32 $0x80, v15;
	s8 =	sadd.s32 $0x3400, s9;
	s9 =	sadd.s32 $0x3800, s9;
	v2 =	vor.u32 $0x1, v0;
	s13 =	sshrl.u32 s10, $0x1  }
0xe: {  	v4 =	vadd.s32 $0x2, v0;
	v6 =	vadd.s32 $0x3, v0;
	v9 =	vadd.s32 $0x4, v0;
	s13 =	ssub.s32 s10, s13;
	s10 =	sshll.u32 s12, $0x9;
	s11 =	sadd.s32 s11, s14  }
0xf: {  	v11 =	vadd.s32 $0x5, v0;
	v13 =	vor.u32 $0x1, v8;
	v14 =	vor.u32 $0x2, v8;
	s12 =	smax.u32 s13, $0x1;
	s13 =	simm.s32 $0x1;
	s14 =	simm.s32 $0x10000  }
.LBB2_1:
0x10: {  	[tilespmem:s5], [sflag:$0x1] =	stream.linear.gather [hbm4b:s6+s5], $0x10000, $0x38;
	[tilespmem:$0x13580] =	vst v63  }
0x11: {  	_ =	swait.ge [sflag:s13], $0x10000  }
0x12: {  	[sflag:s13] =	ssyncset.done $0x0  }
0x13: {  	[sflag:s13] =	ssyncadd.s32 $0xFFFF0000  }
0x14: {  	[tilespmem:s14], [sflag:$0x1] =	stream.linear.gather [hbm4b:s11+s5], $0xC00, $0x38;
	[tilespmem:$0x13580] =	vst v63  }
0x15: {  	_ =	swait.ge [sflag:s13], $0xC00  }
0x16: {  	[sflag:s13] =	ssyncset.done $0x0  }
0x17: {  	[sflag:s13] =	ssyncadd.s32 $0xFFFFF400  }
0x18: {  	[tilespmem:s15], [sflag:$0x1] =	stream.linear.gather [hbm4b:s1+s5], $0x80, $0x38;
	[tilespmem:$0x13580] =	vst v63  }
0x19: {  	_ =	swait.ge [sflag:s13], $0x80  }
0x1a: {  	[sflag:s13] =	ssyncset.done $0x0  }
0x1b: {  	[sflag:s13] =	ssyncadd.s32 $0xFFFFFF80  }
0x1c: {  	[tilespmem:s16], [sflag:$0x1] =	stream.linear.gather [hbm4b:s7+s5], $0x80, $0x38;
	[tilespmem:$0x13580] =	vst v63  }
0x1d: {  	_ =	swait.ge [sflag:s13], $0x80  }
0x1e: {  	[sflag:s13] =	ssyncset.done $0x0  }
0x1f: {  	[sflag:s13] =	ssyncadd.s32 $0xFFFFFF80  }
0x20: {  	[tilespmem:s17], [sflag:$0x1] =	stream.linear.gather [hbm4b:s8+s5], $0x80, $0x38;
	[tilespmem:$0x13580] =	vst v63  }
0x21: {  	_ =	swait.ge [sflag:s13], $0x80  }
0x22: {  	[sflag:s13] =	ssyncset.done $0x0  }
0x23: {  	s22 =	simm.s32 $0x0;
	[sflag:s13] =	ssyncadd.s32 $0xFFFFFF80  }
.LBB2_2:
0x24: {  	s23 =	smul.u32 $0x60, s22;
	_ =	sdelay $0x1  }
0x25: {  	v17 =	vadd.s32 s23, v0  }
0x26: {  	v17 =	vand.u32 $0x1FF8, v17  }
0x27: {  	v18 =	vadd.s32 s23, v2;
	v17 =	vor.u32 v1, v17  }
0x28: {  	v19 =	vadd.s32 s23, v4;
	v18 =	vand.u32 $0x1FF8, v18  }
0x29: {  	v19 =	vand.u32 $0x1FF8, v19;
	v18 =	vor.u32 v3, v18  }
0x2a: {  	v19 =	vor.u32 v5, v19;
	_ =	sdelay $0x1  }
0x2b: {  	v17 =	vld.idx.msk [tilespmem:v17+s14+$0x0], $0xffff;
	_ =	sdelay $0x1  }
0x2c: {  	v18 =	vld.idx.msk [tilespmem:v18+s14+$0x0], $0xffff  }
0x2d: {  	v19 =	vld.idx.msk [tilespmem:v19+s14+$0x0], $0xffff  }
0x2e: {  	v20 =	vadd.s32 s23, v6;
	v21 =	vadd.s32 s23, v9;
	v23 =	vadd.s32 s23, v11  }
0x2f: {  	v20 =	vand.u32 $0x1FF8, v20;
	v21 =	vand.u32 $0x1FF8, v21;
	v22 =	vand.u32 $0x7FFFFFFF, v17  }
0x30: {  	v20 =	vor.u32 v7, v20;
	v21 =	vor.u32 v10, v21;
	vm0 =	vgt.f32 v22, $9.999999710e-10  }
0x31: {  	v24 =	vand.u32 $0x7FFFFFFF, v18;
	v22 =	vand.u32 $0x1FF8, v23;
	v23 =	vnsel vm0, $0x3089705F, v17  }
0x32: {  	vm0 =	vgt.f32 v24, $9.999999710e-10;
	(erf) = vrcp.f32 v23;
	v23 =	vand.u32 $0x7FFFFFFF, v19  }
0x33: {  	v22 =	vor.u32 v12, v22;
	v24 =	vnsel vm0, $0x3089705F, v18;
	vm0 =	vgt.f32 v23, $9.999999710e-10  }
0x34: {  	(erf) = vrcp.f32 v24;
	v23 =	vnsel vm0, $0x3089705F, v19  }
0x35: {  	v20 =	vld.idx.msk [tilespmem:v20+s14+$0x0], $0xffff;
	(erf) = vrcp.f32 v23;
	_ =	sdelay $0x1  }
0x36: {  	v21 =	vld.idx.msk [tilespmem:v21+s14+$0x0], $0xffff  }
0x37: {  	v22 =	vld.idx.msk [tilespmem:v22+s14+$0x0], $0xffff;
	_ =	sdelay $0x1  }
0x38: {  	v23 =	vsub.f32 $-1.000000000e+00, v20  }
0x39: {  	v25 =	vsub.f32 $1.000000000e+00, v20;
	v24 =	vpop (erf)  }
0x3a: {  	v27 =	vsub.f32 $1.000000000e+00, v21;
	v26 =	vmul.f32 v24, v23;
	v23 =	vsub.f32 $-1.000000000e+00, v21  }
0x3b: {  	s23 =	simm.s32 $0x0;
	v29 =	vsub.f32 $1.000000000e+00, v22;
	v28 =	vpop (erf);
	v25 =	vmul.f32 v24, v25;
	v24 =	vsub.f32 $-1.000000000e+00, v22  }
0x3c: {  	s24 =	scvt.s32.f32 s23;
	v30 =	vpop (erf);
	v31 =	vmul.f32 v28, v23;
	v28 =	vmul.f32 v28, v27  }
0x3d: {  	v32 =	vmul.f32 v30, v24;
	v29 =	vmul.f32 v30, v29  }
0x3e: {  	s24 =	sadd.f32 $5.000000000e-01, s24;
	v23 =	vmin.f32 v26, v25;
	v24 =	vmin.f32 v31, v28  }
0x3f: {  	v23 =	vmax.f32 v23, v24;
	v24 =	vmin.f32 v32, v29  }
0x40: {  	s24 =	smul.f32 $2.706329340e-02, s24;
	v30 =	vmax.f32 v23, v24  }
0x41: {  	v24 =	vmax.f32 v30, $2.000000030e-01  }
0x42: {  	v23 =	vadd.f32 s24, v24;
	_ =	sdelay $0x1  }
0x43: {  	v27 =	vmul.f32 v23, v18  }
0x44: {  	v33 =	vmul.f32 v23, v17  }
0x45: {  	v34 =	vmul.f32 v23, v19;
	v37 =	vadd.f32 v27, v21  }
0x46: {  	v38 =	vadd.f32 v33, v20  }
0x47: {  	v40 =	vadd.f32 v34, v22;
	v27 =	vmax.f32 v37, $-1.000000000e+00  }
0x48: {  	v33 =	vmax.f32 v38, $-1.000000000e+00;
	v27 =	vmin.f32 v27, $1.000000000e+00  }
0x49: {  	v34 =	vmax.f32 v40, $-1.000000000e+00;
	v33 =	vmin.f32 v33, $1.000000000e+00;
	v27 =	vmul.f32 $5.000000000e-01, v27  }
0x4a: {  	v34 =	vmin.f32 v34, $1.000000000e+00;
	v33 =	vmul.f32 $5.000000000e-01, v33  }
0x4b: {  	v34 =	vmul.f32 $5.000000000e-01, v34;
	v27 =	vadd.f32 $5.000000000e-01, v27  }
0x4c: {  	v33 =	vadd.f32 $5.000000000e-01, v33  }
0x4d: {  	v34 =	vadd.f32 $5.000000000e-01, v34;
	v27 =	vmul.f32 $1.280000000e+02, v27  }
0x4e: {  	v33 =	vmul.f32 $1.280000000e+02, v33  }
0x4f: {  	v34 =	vmul.f32 $1.280000000e+02, v34;
	v27 =	vtrunc.f32 v27  }
0x50: {  	v33 =	vtrunc.f32 v33;
	v27 =	vcvt.f32.s32 v27  }
0x51: {  	v34 =	vtrunc.f32 v34;
	v33 =	vcvt.f32.s32 v33  }
0x52: {  	v34 =	vcvt.f32.s32 v34;
	vm0 =	vgt.s32 v27, $0x0  }
0x53: {  	s24 =	simm.s32 $0x1;
	vm1 =	vgt.s32 v33, $0x0;
	v27 =	vnsel vm0, $0x0, v27  }
0x54: {  	s25 =	scvt.s32.f32 s24;
	v33 =	vnsel vm1, $0x0, v33;
	vm0 =	vgt.s32 v34, $0x0;
	v27 =	vmin.u32 v27, $0x7F  }
0x55: {  	v33 =	vmin.u32 v33, $0x7F;
	v34 =	vnsel vm0, $0x0, v34  }
0x56: {  	s25 =	sadd.f32 $5.000000000e-01, s25;
	v34 =	vmin.u32 v34, $0x7F;
	_ =	sdelay $0x1  }
0x57: {  	s25 =	smul.f32 $2.706329340e-02, s25  }
0x58: {  	v35 =	vld.idx.msk [tilespmem:v27+s16+$0x0], $0xffff  }
0x59: {  	v33 =	vld.idx.msk [tilespmem:v33+s15+$0x0], $0xffff;
	v27 =	vadd.f32 s25, v24  }
0x5a: {  	v25 =	vmax.f32 v26, v25;
	v34 =	vld.idx.msk [tilespmem:v34+s17+$0x0], $0xffff  }
0x5b: {  	v26 =	vmax.f32 v31, v28;
	v28 =	vmul.f32 v27, v17;
	v31 =	vmul.f32 v27, v18  }
0x5c: {  	v39 =	vmul.f32 v27, v19  }
0x5d: {  	v36 =	vmin.f32 v25, v26;
	v25 =	vadd.f32 v28, v20;
	v26 =	vadd.f32 v31, v21  }
0x5e: {  	v31 =	vmax.f32 v32, v29;
	v29 =	vadd.f32 v39, v22;
	v28 =	vor.u32 v33, v35  }
0x5f: {  	v55 =	vor.u32 v34, v28;
	v28 =	vmax.f32 v25, $-1.000000000e+00;
	v56 =	vmax.f32 v26, $-1.000000000e+00  }
0x60: {  	v57 =	vmax.f32 v29, $-1.000000000e+00;
	v34 =	vshra.s32 v55, $0x5;
	v28 =	vmin.f32 v28, $1.000000000e+00  }
0x61: {  	v33 =	vmin.f32 v56, $1.000000000e+00;
	v35 =	vmin.f32 v57, $1.000000000e+00;
	v28 =	vmul.f32 $5.000000000e-01, v28  }
0x62: {  	v33 =	vmul.f32 $5.000000000e-01, v33;
	v35 =	vmul.f32 $5.000000000e-01, v35  }
0x63: {  	v30 =	vmax.f32 v30, $0.0e+00;
	v31 =	vmin.f32 v36, v31;
	v28 =	vadd.f32 $5.000000000e-01, v28  }
0x64: {  	vm0 =	vgt.f32 v31, v30;
	v33 =	vadd.f32 $5.000000000e-01, v33;
	v30 =	vadd.f32 $5.000000000e-01, v35  }
0x65: {  	v31 =	vmax.f32 v31, v24;
	v32 =	vand.u32 $0x1F, v55;
	v58 =	vld.idx.msk [tilespmem:v34+s5+$0x0], $0xffff;
	v59 =	vmul.f32 $1.280000000e+02, v28  }
0x66: {  	v35 =	vor.u32 s23, v15;
	v33 =	vmul.f32 $1.280000000e+02, v33;
	v60 =	vmul.f32 $1.280000000e+02, v30  }
0x67: {  	v28 =	vsel vm0, v31, v24;
	v30 =	vadd.s32 s23, v14;
	v34 =	vtrunc.f32 v59  }
0x68: {  	v31 =	vadd.s32 s23, v13;
	v33 =	vtrunc.f32 v33;
	v36 =	vtrunc.f32 v60  }
0x69: {  	vm0 =	vlt.f32 v23, v28;
	v61 =	vcvt.f32.s32 v34;
	v33 =	vcvt.f32.s32 v33  }
0x6a: {  	v34 =	vadd.s32 s23, v8;
	v36 =	vcvt.f32.s32 v36;
	v32 =	vshrl.u32 v58, v32  }
0x6b: {  	vm1 =	vgt.s32 v61, $0x0;
	vm2 =	vgt.s32 v33, $0x0;
	v63 =	vand.u32 $0x1, v32  }
0x6c: {  	v62 =	vnsel vm1, $0x0, v61;
	v33 =	vnsel vm2, $0x0, v33;
	vm1 =	veq.s32 v63, $0x1  }
0x6d: {  	v32 =	vmin.u32 v62, $0x7F;
	v33 =	vmin.u32 v33, $0x7F;
	vm0 =	vmand vm0, vm1  }
0x6e: {  	s25 =	simm.s32 $0x2;
	v39 =	vnsel vm0, $0x0, v38;
	v38 =	vnsel vm0, $0x0, v37;
	v37 =	vnsel vm0, $0x0, v40  }
.LBB2_3:
0x6f: {  	p0 =	sne.s32 s25, $0x7F  }
0x70: {  	vm1 =	vgt.s32 v36, $0x0;
	[tilespmem:v34+s18+$0x0] =	vst.idx.msk $0xffff, v39;
	v34 =	vnsel vm0, $0x0, v23;
	s23 =	sadd.s32 $0x3, s23;
	v23 =	vmovc v27;
	v40 =	vmov v29;
	s26 =	smov.u32 s25;
	s25 =	sadd.s32 $0x1, s25  }
0x71: {  	v27 =	vnsel vm1, $0x0, v36;
	[tilespmem:v31+s18+$0x0] =	vst.idx.msk $0xffff, v38  }
0x72: {  	s28 =	scvt.s32.f32 s26;
	v27 =	vmin.u32 v27, $0x7F;
	[tilespmem:v30+s18+$0x0] =	vst.idx.msk $0xffff, v37  }
0x73: {  	v29 =	vsel vm0, $0x1, v16;
	[tilespmem:v35+s19+$0x0] =	vst.idx.msk $0xffff, v34  }
0x74: {  	s28 =	sadd.f32 $5.000000000e-01, s28;
	[tilespmem:v35+s20+$0x0] =	vst.idx.msk $0xffff, v29  }
0x75: {  	v29 =	vld.idx.msk [tilespmem:v33+s16+$0x0], $0xffff  }
0x76: {  	s28 =	smul.f32 $2.706329340e-02, s28;
	v30 =	vld.idx.msk [tilespmem:v32+s15+$0x0], $0xffff  }
0x77: {  	v31 =	vld.idx.msk [tilespmem:v27+s17+$0x0], $0xffff  }
0x78: {  	v27 =	vadd.f32 s28, v24;
	_ =	sdelay $0x1  }
0x79: {  	v32 =	vmul.f32 v27, v17;
	v33 =	vmul.f32 v27, v18  }
0x7a: {  	v34 =	vmul.f32 v27, v19  }
0x7b: {  	v41 =	vadd.f32 v32, v20;
	v42 =	vadd.f32 v33, v21;
	v30 =	vor.u32 v30, v29  }
0x7c: {  	v29 =	vadd.f32 v34, v22;
	v32 =	vor.u32 v31, v30  }
0x7d: {  	v30 =	vmax.f32 v41, $-1.000000000e+00;
	v31 =	vmax.f32 v42, $-1.000000000e+00;
	v33 =	vshra.s32 v32, $0x5  }
0x7e: {  	v34 =	vmax.f32 v29, $-1.000000000e+00;
	v30 =	vmin.f32 v30, $1.000000000e+00;
	v31 =	vmin.f32 v31, $1.000000000e+00  }
0x7f: {  	v34 =	vmin.f32 v34, $1.000000000e+00;
	v30 =	vmul.f32 $5.000000000e-01, v30;
	v31 =	vmul.f32 $5.000000000e-01, v31  }
0x80: {  	v34 =	vmul.f32 $5.000000000e-01, v34  }
0x81: {  	v30 =	vadd.f32 $5.000000000e-01, v30;
	v31 =	vadd.f32 $5.000000000e-01, v31  }
0x82: {  	v34 =	vadd.f32 $5.000000000e-01, v34;
	v33 =	vld.idx.msk [tilespmem:v33+s5+$0x0], $0xffff  }
0x83: {  	v35 =	vmul.f32 $1.280000000e+02, v30;
	v31 =	vmul.f32 $1.280000000e+02, v31  }
0x84: {  	v36 =	vmul.f32 $1.280000000e+02, v34;
	v30 =	vadd.s32 s23, v14  }
0x85: {  	v34 =	vtrunc.f32 v35;
	v35 =	vtrunc.f32 v31;
	v31 =	vadd.s32 s23, v13  }
0x86: {  	v37 =	vcvt.f32.s32 v34;
	v35 =	vcvt.f32.s32 v35;
	v34 =	vadd.s32 s23, v8  }
0x87: {  	vm0 =	vlt.f32 v23, v28;
	v32 =	vand.u32 $0x1F, v32;
	v36 =	vtrunc.f32 v36  }
.Ltmp0:
0x88: {  	vm1 =	vgt.s32 v37, $0x0;
	vm2 =	vgt.s32 v35, $0x0;
	v32 =	vshrl.u32 v33, v32;
	(pc) =	sbr.rel @p0 .LBB2_3-.Ltmp0, $4  }
0x89: {  	v33 =	vnsel vm1, $0x0, v37;
	v35 =	vnsel vm2, $0x0, v35;
	v37 =	vand.u32 $0x1, v32  }
0x8a: {  	v32 =	vmin.u32 v33, $0x7F;
	v33 =	vmin.u32 v35, $0x7F;
	vm1 =	veq.s32 v37, $0x1  }
0x8b: {  	v36 =	vcvt.f32.s32 v36;
	v35 =	vor.u32 s24, v15;
	s24 =	smov.u32 s26;
	vm0 =	vmand vm0, vm1  }
0x8c: {  	v39 =	vnsel vm0, $0x0, v25;
	v38 =	vnsel vm0, $0x0, v26;
	v37 =	vnsel vm0, $0x0, v40;
	v25 =	vmovc v41;
	v26 =	vmovc v42  }
0x8d: {  	_ =	sdelay $0x3  }
0x8e: {  	vm1 =	vgt.s32 v36, $0x0;
	[tilespmem:v34+s18+$0x0] =	vst.idx.msk $0xffff, v39  }
0x8f: {  	v17 =	vnsel vm1, $0x0, v36;
	[tilespmem:v31+s18+$0x0] =	vst.idx.msk $0xffff, v38  }
0x90: {  	v18 =	vnsel vm0, $0x0, v23;
	v17 =	vmin.u32 v17, $0x7F;
	[tilespmem:v30+s18+$0x0] =	vst.idx.msk $0xffff, v37  }
0x91: {  	[tilespmem:v35+s19+$0x0] =	vst.idx.msk $0xffff, v18;
	v18 =	vsel vm0, $0x1, v16  }
0x92: {  	[tilespmem:v35+s20+$0x0] =	vst.idx.msk $0xffff, v18  }
0x93: {  	v18 =	vld.idx.msk [tilespmem:v33+s16+$0x0], $0xffff  }
0x94: {  	v19 =	vld.idx.msk [tilespmem:v32+s15+$0x0], $0xffff  }
0x95: {  	v17 =	vld.idx.msk [tilespmem:v17+s17+$0x0], $0xffff;
	_ =	sdelay $0x3  }
0x96: {  	v18 =	vor.u32 v19, v18  }
0x97: {  	v17 =	vor.u32 v17, v18  }
0x98: {  	v18 =	vshra.s32 v17, $0x5;
	_ =	sdelay $0x4  }
0x99: {  	v18 =	vld.idx.msk [tilespmem:v18+s5+$0x0], $0xffff;
	_ =	sdelay $0x3  }
0x9a: {  	s23 =	sadd.s32 $0x3, s23;
	v17 =	vand.u32 $0x1F, v17  }
0x9b: {  	v19 =	vadd.s32 s23, v8;
	v17 =	vshrl.u32 v18, v17  }
0x9c: {  	v18 =	vadd.s32 s23, v13;
	v17 =	vand.u32 $0x1, v17  }
0x9d: {  	vm14 =	vlt.f32 v27, v28;
	v20 =	vadd.s32 s23, v14;
	vm15 =	veq.s32 v17, $0x1  }
0x9e: {  	v17 =	vor.u32 s24, v15;
	vm0 =	vmand vm14, vm15  }
0x9f: {  	v21 =	vnsel vm0, $0x0, v25  }
0xa0: {  	s29 =	sshll.u32 s22, $0x4;
	v22 =	vnsel vm0, $0x0, v26;
	[tilespmem:v19+s18+$0x0] =	vst.idx.msk $0xffff, v21  }
0xa1: {  	s23 =	sadd.s32 s10, s29;
	v19 =	vnsel vm0, $0x0, v29;
	[tilespmem:v18+s18+$0x0] =	vst.idx.msk $0xffff, v22  }
0xa2: {  	s30 =	smul.u32 $0x30, s23;
	v18 =	vnsel vm0, $0x0, v27;
	[tilespmem:v20+s18+$0x0] =	vst.idx.msk $0xffff, v19  }
0xa3: {  	[tilespmem:v17+s19+$0x0] =	vst.idx.msk $0xffff, v18;
	v18 =	vsel vm0, $0x1, v16  }
0xa4: {  	s24 =	sadd.s32 s2, s30;
	[tilespmem:v17+s20+$0x0] =	vst.idx.msk $0xffff, v18  }
0xa5: {  	[hbm4b:s24+s5] =	stream.linear.scatter [tilespmem:s18], [sflag:$0x1], $0x1800, $0x38;
	[tilespmem:$0x13580] =	vst v63  }
0xa6: {  	_ =	swait.ge [sflag:s13], $0x1800  }
0xa7: {  	s23 =	sshll.u32 s23, $0x4;
	[sflag:s13] =	ssyncset.done $0x0  }
0xa8: {  	s31 =	sadd.s32 s3, s23;
	[sflag:s13] =	ssyncadd.s32 $0xFFFFE800  }
0xa9: {  	[hbm4b:s31+s5] =	stream.linear.scatter [tilespmem:s19], [sflag:$0x1], $0x800, $0x38;
	[tilespmem:$0x13580] =	vst v63  }
0xaa: {  	s22 =	sadd.s32 $0x1, s22;
	_ =	swait.ge [sflag:s13], $0x800  }
0xab: {  	p0 =	sne.s32 s22, $0x20;
	[sflag:s13] =	ssyncset.done $0x0  }
.Ltmp1:
0xac: {  	s23 =	sadd.s32 s9, s23;
	[sflag:s13] =	ssyncadd.s32 $0xFFFFF800;
	(pc) =	sbr.rel @p0 .LBB2_2-.Ltmp1, $4  }
0xad: {  	[hbm4b:s23+s5] =	stream.linear.scatter [tilespmem:s20], [sflag:$0x1], $0x800, $0x38;
	[tilespmem:$0x13580] =	vst v63  }
0xae: {  	_ =	swait.ge [sflag:s13], $0x800  }
0xaf: {  	[sflag:s13] =	ssyncset.done $0x0  }
0xb0: {  	[sflag:s13] =	ssyncadd.s32 $0xFFFFF800  }
0xb1: {  	s21 =	sadd.s32 $0x1, s21  }
0xb2: {  	p0 =	sne.s32 s21, s12  }
.Ltmp2:
0xb3: {  	_ = 	snop;
	(pc) =	sbr.rel @p0 .LBB2_1-.Ltmp2, $1  }
0xb4: {  	_ =	sdelay $0x3  }
0xb5: {  	_ =	sfence.sel $0x180000  }
0xb6: {  	[bflag:$0x0] =	sbarrier.arrive $0xFFFF  }
0xb7: {  	p0 =	sne.s32 s4, $0x0;
	_ =	strace $0x9000004A  }
0xb8: {  	s0 =	sadd.s32 @!p0 $0x100000, s0;
	[bflag:$0x2] =	sbarrier.arrive $0xFFFF  }
0xb9: {  	[sflag:s0] =	ssyncadd.tile.s32 @!p0 $0x1;
	_ =	shalt  }
.Lfunc_end2:
_tile_overlayer_lowered:
.L_overlay_start_2:
0xba: {  	(tag) =	ssettag $0x2  }
0xbb: {  	s0 =	rddreg [dreg:$0x0];
	s2 =	stileid.u32  }
0xbc: {  	s1 =	rddreg [dreg:$0x1];
	p0 =	sne.s32 s2, $0x0  }
0xbd: {  	s3 =	rddreg [dreg:$0x2];
	[bflag:$0x3] =	sbarrier.arrive $0xFFFF;
	s2 =	simm.s32 @!p0 $0x1C01  }
0xbe: {  	[timem:s3], [sflag:s2] =	dma.local @!p0 [hbm:s0], s1  }
0xbf: {  	s0 =	simm.s32 @!p0 $0x1  }
0xc0: {  	_ =	swait.ge @!p0 [sflag:s0], s1  }
0xc1: {  	s1 =	ssub.s32 @!p0 $0x0, s1;
	[sflag:s0] =	ssyncset.done @!p0 $0x0  }
0xc2: {  	[sflag:s0] =	ssyncadd.s32 @!p0 s1  }
0xc3: {  	[bflag:$0x3] =	sbarrier.arrive $0xFFFF  }
0xc4: {  	_ =	shalt  }

</sc_bundles>
